<compile_context>
chip_gen: v7x
topology: tpu7x:2x2x1
jax: 0.10.2.dev20260603
libtpu: 0.0.44.dev20260713+nightly
codegen_flags: <defaults>
</compile_context>

<pallas_src>
import jax
import jax.numpy as jnp
from jax import lax
from jax.experimental import pallas as pl
from jax.experimental.pallas import tpu as pltpu
from jax.experimental.pallas import tpu_sc as plsc

_R, _D = 64, 8192
_L = 16
_NCHUNK = _D // _L
_UNROLL = 8
_NC, _NS = 2, 16
_NW = _NC * _NS
_ROWS_PER_W = _R // _NW


def _sparsemax_body(x_hbm, out_hbm, row_v, idx_v, zero_v, in_sem, out_sem):
    cid = lax.axis_index("c")
    sid = lax.axis_index("s")
    wid = sid * _NC + cid
    lane = lax.iota(jnp.int32, _L)
    zvec = jnp.zeros((_L,), jnp.float32)

    pltpu.async_copy(x_hbm.at[wid * _ROWS_PER_W], row_v, in_sem)

    def z_body(c):
        zero_v[pl.ds(c * _L, _L)] = zvec

    plsc.parallel_loop(0, _NCHUNK, unroll=_UNROLL)(z_body)

    def row_body(r, row_carry):
        row = wid * _ROWS_PER_W + r
        pltpu.make_async_copy(x_hbm.at[row], row_v, in_sem).wait()

        def mx_body(cb, accs):
            return tuple(
                jnp.maximum(accs[j], row_v[pl.ds((cb + j) * _L, _L)])
                for j in range(_UNROLL)
            )

        ninf = jnp.full((_L,), -jnp.inf, jnp.float32)
        accs = plsc.parallel_loop(0, 128, step=_UNROLL,
                                  carry=(ninf,) * _UNROLL)(mx_body)
        acc = accs[0]
        for j in range(1, _UNROLL):
            acc = jnp.maximum(acc, accs[j])

        srt, _ = plsc.sort_key_val(acc, acc, descending=True)
        cums = plsc.cumsum(srt)
        rho = (lane + 1).astype(jnp.float32)
        tvec = (cums - 1.0) / rho
        thr_raw = jnp.max(tvec)
        thr = thr_raw - (1e-3 + 1e-3 * jnp.abs(thr_raw))

        def cp_body(c, carry):
            off, ivec = carry
            v = row_v[pl.ds(c * _L, _L)]
            msk = v > thr
            plsc.store_compressed(idx_v.at[pl.ds(off, _L)], ivec, mask=msk)
            cnt = plsc.all_reduce_population_count(msk)
            return off + cnt[0], ivec + _L

        m, _ = plsc.parallel_loop(0, _NCHUNK, unroll=_UNROLL,
                                  carry=(jnp.int32(0), lane))(cp_body)
        nc = (m + _L - 1) // _L

        def newton_body(state):
            tau, _, it = state

            def acc_body(c, carry):
                sv, cv = carry
                valid = c * _L + lane < m
                iv = idx_v[pl.ds(c * _L, _L)]
                v = plsc.load_gather(row_v, [iv], mask=valid)
                sel = jnp.logical_and(valid, v > tau)
                sv = sv + jnp.where(sel, v, 0.0)
                cv = cv + jnp.where(sel, 1.0, 0.0)
                return sv, cv

            sv, cv = lax.fori_loop(0, nc, acc_body, (zvec, zvec))
            s = jnp.sum(sv)
            k = jnp.maximum(jnp.sum(cv), 1.0)
            tau_v = jnp.broadcast_to(s - 1.0, (_L,)) / jnp.broadcast_to(k, (_L,))
            return tau_v[0], tau, it + 1

        def newton_cond(state):
            tau, prev, it = state
            return jnp.logical_and(tau != prev, it < 64)

        tau, _, _ = lax.while_loop(newton_cond, newton_body,
                                   (thr, thr - 1.0, jnp.int32(0)))

        def sc_body(c, carry):
            valid = c * _L + lane < m
            iv = idx_v[pl.ds(c * _L, _L)]
            v = plsc.load_gather(row_v, [iv], mask=valid)
            sel = jnp.logical_and(valid, v > tau)
            plsc.store_scatter(zero_v, [iv], v - tau, mask=sel)
            return carry

        lax.fori_loop(0, nc, sc_body, jnp.int32(0))

        pltpu.async_copy(zero_v, out_hbm.at[row], out_sem)

        @pl.when(r + 1 < _ROWS_PER_W)
        def _():
            pltpu.async_copy(x_hbm.at[row + 1], row_v, in_sem)

        pltpu.make_async_copy(zero_v, out_hbm.at[row], out_sem).wait()

        def us_body(c, carry):
            valid = c * _L + lane < m
            iv = idx_v[pl.ds(c * _L, _L)]
            plsc.store_scatter(zero_v, [iv], zvec, mask=valid)
            return carry

        lax.fori_loop(0, nc, us_body, jnp.int32(0))
        return row_carry

    lax.fori_loop(0, _ROWS_PER_W, row_body, jnp.int32(0))


def _make_call():
    return pl.kernel(
        _sparsemax_body,
        out_type=jax.ShapeDtypeStruct((_R, _D), jnp.float32),
        mesh=plsc.VectorSubcoreMesh(core_axis_name="c", subcore_axis_name="s",
                                    num_cores=_NC, num_subcores=_NS),
        scratch_types=[
            pltpu.VMEM((_D,), jnp.float32),
            pltpu.VMEM((_D,), jnp.int32),
            pltpu.VMEM((_D,), jnp.float32),
            pltpu.SemaphoreType.DMA,
            pltpu.SemaphoreType.DMA,
        ],
        compiler_params=pltpu.CompilerParams(needs_layout_passes=False,
                                             skip_device_barrier=True),
    )


@jax.jit
def kernel(input):
    return _make_call()(input)

# --- scband reference (transcript-rebuilt; emitter-appended) ---
"""Pipeline reference for scband-sparsemax-48301202211235 (READ-ONLY COPY).

The authoritative reference and input builder live on the scoring server;
editing this copy changes nothing except your own understanding.
"""

import jax, jax.numpy as jnp
import numpy as np


def sparsemax(x, axis=-1):
    max_val = jnp.max(x, axis=axis, keepdims=True)
    x = x - max_val
    # sort descending along axis
    srt = -jnp.sort(-x, axis=axis)
    cumsum = jnp.cumsum(srt, axis=axis) - 1.0
    d = x.shape[axis]
    rho_shape = [1] * x.ndim
    rho_shape[axis] = d
    rhos = jnp.arange(1, d + 1, dtype=x.dtype).reshape(rho_shape)
    support = rhos * srt > cumsum
    support_size = jnp.sum(support, axis=axis, keepdims=True).astype(jnp.int32)
    tau = jnp.take_along_axis(cumsum, support_size - 1, axis=axis)
    tau = tau / support_size.astype(x.dtype)
    return jnp.clip(x - tau, 0.0, None)


def setup_inputs(seed=0) -> dict:
    key = jax.random.key(seed)
    x = jax.random.normal(key, (64, 8192), dtype=jnp.float32)
    return {"input": x}


def reference(input) -> jnp.ndarray:
    return sparsemax(input, axis=-1)

if __name__ == "__main__":
    import jax
    _d = setup_inputs()
    print(jax.jit(kernel)(*tuple(_d.values())))

</pallas_src>

<mosaic_0001>
#map = affine_map<(d0, d1) -> (0, 0)>
module attributes {stable_mosaic.version = 14 : i64} {
  func.func @_sparsemax_body(%arg0: i32, %arg1: i32, %arg2: memref<64x8192xf32, #tpu.memory_space<hbm>>, %arg3: memref<64x8192xf32, #tpu.memory_space<hbm>>, %arg4: memref<8192xf32, #tpu.memory_space<vmem>>, %arg5: memref<8192xi32, #tpu.memory_space<vmem>>, %arg6: memref<8192xf32, #tpu.memory_space<vmem>>, %arg7: memref<!tpu.dma_semaphore, #tpu.memory_space<semaphore_mem>>, %arg8: memref<!tpu.dma_semaphore, #tpu.memory_space<semaphore_mem>>) attributes {dimension_semantics = [#tpu.dimension_semantics<core_parallel>, #tpu.dimension_semantics<subcore_parallel>], iteration_bounds = array<i64: 2, 16>, scalar_prefetch = 0 : i64, scratch_operands = 5 : i64, tpu.core_type = #tpu.core_type<sc_vector_subcore>, window_params = [{transform_indices = #map}, {transform_indices = #map}]} {
    %mul3A = arith.constant 2 : i32
    %mul3A_0 = arith.muli %arg1, %mul3A : i32
    %add3A = arith.addi %mul3A_0, %arg0 : i32
    %iota3A = tpu.iota {dimensions = array<i32: 0>} : vector<16xi32>
    %broadcast_in_dim3A = arith.constant 0.000000e+00 : f32
    %broadcast_in_dim3A_1 = vector.broadcast %broadcast_in_dim3A : f32 to vector<16xf32>
    %mul3A_2 = arith.constant 2 : i32
    %mul3A_3 = arith.muli %add3A, %mul3A_2 : i32
    %dma_start3A = arith.constant 0 : i32
    %dma_start3A_4 = tpu.memref_slice %arg2[%mul3A_3, %dma_start3A] : memref<64x8192xf32, #tpu.memory_space<hbm>> -> memref<1x8192xf32, #tpu.memory_space<hbm>>
    %dma_start3A_5 = tpu.memref_squeeze %dma_start3A_4 : memref<1x8192xf32, #tpu.memory_space<hbm>> -> memref<8192xf32, #tpu.memory_space<hbm>>
    %dma_start3A_6 = arith.constant 0 : i32
    %dma_start3A_7 = tpu.memref_slice %arg2[%mul3A_3, %dma_start3A_6] : memref<64x8192xf32, #tpu.memory_space<hbm>> -> memref<1x8192xf32, #tpu.memory_space<hbm>>
    %dma_start3A_8 = tpu.memref_squeeze %dma_start3A_7 : memref<1x8192xf32, #tpu.memory_space<hbm>> -> memref<8192xf32, #tpu.memory_space<hbm>>
    tpu.enqueue_dma source(%dma_start3A_8 : memref<8192xf32, #tpu.memory_space<hbm>>) target(%arg4 : memref<8192xf32, #tpu.memory_space<vmem>>) target_semaphore(%arg7 : memref<!tpu.dma_semaphore, #tpu.memory_space<semaphore_mem>>)
    %parallel_loop3A = arith.constant 0 : i32
    %parallel_loop3A_9 = arith.constant 512 : i32
    %parallel_loop3A_10 = arith.constant 1 : i32
    scf.for %parallel_loop3A_16 = %parallel_loop3A to %parallel_loop3A_9 step %parallel_loop3A_10  : i32 {
      %parallel_loop3A_17 = arith.constant 16 : i32
      %parallel_loop3A_18 = arith.muli %parallel_loop3A_16, %parallel_loop3A_17 : i32
      %parallel_loop3A_19 = arith.index_cast %parallel_loop3A_18 : i32 to index
      %parallel_loop3A_20 = tpu.vector_load %arg6[%parallel_loop3A_19] {strides = array<i32>} : memref<8192xf32, #tpu.memory_space<vmem>>, vector<16xf32>,
      tpu.vector_store %arg6[%parallel_loop3A_19], %broadcast_in_dim3A_1 {strides = array<i32>} : memref<8192xf32, #tpu.memory_space<vmem>>, vector<16xf32>,
    } {sc.loop_unroll_factor = 8 : i64, sc.parallel_access}
    %scan3A = arith.constant 0 : i32
    %scan3A_11 = arith.constant 0 : i32
    %scan3A_12 = arith.constant 2 : i32
    %scan3A_13 = arith.addi %scan3A_11, %scan3A_12 : i32
    %scan3A_14 = arith.constant 1 : i32
    scf.for %scan3A_16 = %scan3A_11 to %scan3A_13 step %scan3A_14  : i32 {
      %mul3A_17 = arith.constant 2 : i32
      %mul3A_18 = arith.muli %add3A, %mul3A_17 : i32
      %add3A_19 = arith.addi %mul3A_18, %scan3A_16 : i32
      %dma_wait3A = arith.constant 0 : i32
      %dma_wait3A_20 = tpu.memref_slice %arg2[%add3A_19, %dma_wait3A] : memref<64x8192xf32, #tpu.memory_space<hbm>> -> memref<1x8192xf32, #tpu.memory_space<hbm>>
      %dma_wait3A_21 = tpu.memref_squeeze %dma_wait3A_20 : memref<1x8192xf32, #tpu.memory_space<hbm>> -> memref<8192xf32, #tpu.memory_space<hbm>>
      %dma_wait3A_22 = arith.constant 0 : i32
      %dma_wait3A_23 = tpu.memref_slice %arg2[%add3A_19, %dma_wait3A_22] : memref<64x8192xf32, #tpu.memory_space<hbm>> -> memref<1x8192xf32, #tpu.memory_space<hbm>>
      %dma_wait3A_24 = tpu.memref_squeeze %dma_wait3A_23 : memref<1x8192xf32, #tpu.memory_space<hbm>> -> memref<8192xf32, #tpu.memory_space<hbm>>
      tpu.wait_dma2 semaphore(%arg7 : memref<!tpu.dma_semaphore, #tpu.memory_space<semaphore_mem>>) src(%dma_wait3A_24 : memref<8192xf32, #tpu.memory_space<hbm>>) dst(%arg4 : memref<8192xf32, #tpu.memory_space<vmem>>)
      %broadcast_in_dim3A_25 = arith.constant 0xFF800000 : f32
      %broadcast_in_dim3A_26 = vector.broadcast %broadcast_in_dim3A_25 : f32 to vector<16xf32>
      %parallel_loop3A_27 = arith.constant 0 : i32
      %parallel_loop3A_28 = arith.constant 128 : i32
      %parallel_loop3A_29 = arith.constant 8 : i32
      %parallel_loop3A_30:8 = scf.for %parallel_loop3A_122 = %parallel_loop3A_27 to %parallel_loop3A_28 step %parallel_loop3A_29 iter_args(%parallel_loop3A_123 = %broadcast_in_dim3A_26, %parallel_loop3A_124 = %broadcast_in_dim3A_26, %parallel_loop3A_125 = %broadcast_in_dim3A_26, %parallel_loop3A_126 = %broadcast_in_dim3A_26, %parallel_loop3A_127 = %broadcast_in_dim3A_26, %parallel_loop3A_128 = %broadcast_in_dim3A_26, %parallel_loop3A_129 = %broadcast_in_dim3A_26, %parallel_loop3A_130 = %broadcast_in_dim3A_26) -> (vector<16xf32>, vector<16xf32>, vector<16xf32>, vector<16xf32>, vector<16xf32>, vector<16xf32>, vector<16xf32>, vector<16xf32>)  : i32 {
        %parallel_loop3A_131 = arith.constant 0 : i32
        %parallel_loop3A_132 = arith.addi %parallel_loop3A_122, %parallel_loop3A_131 : i32
        %parallel_loop3A_133 = arith.constant 16 : i32
        %parallel_loop3A_134 = arith.muli %parallel_loop3A_132, %parallel_loop3A_133 : i32
        %parallel_loop3A_135 = arith.index_cast %parallel_loop3A_134 : i32 to index
        %parallel_loop3A_136 = tpu.vector_load %arg4[%parallel_loop3A_135] {strides = array<i32>} : memref<8192xf32, #tpu.memory_space<vmem>>, vector<16xf32>,
        %parallel_loop3A_137 = arith.maximumf %parallel_loop3A_123, %parallel_loop3A_136 : vector<16xf32>
        %parallel_loop3A_138 = arith.constant 1 : i32
        %parallel_loop3A_139 = arith.addi %parallel_loop3A_122, %parallel_loop3A_138 : i32
        %parallel_loop3A_140 = arith.constant 16 : i32
        %parallel_loop3A_141 = arith.muli %parallel_loop3A_139, %parallel_loop3A_140 : i32
        %parallel_loop3A_142 = arith.index_cast %parallel_loop3A_141 : i32 to index
        %parallel_loop3A_143 = tpu.vector_load %arg4[%parallel_loop3A_142] {strides = array<i32>} : memref<8192xf32, #tpu.memory_space<vmem>>, vector<16xf32>,
        %parallel_loop3A_144 = arith.maximumf %parallel_loop3A_124, %parallel_loop3A_143 : vector<16xf32>
        %parallel_loop3A_145 = arith.constant 2 : i32
        %parallel_loop3A_146 = arith.addi %parallel_loop3A_122, %parallel_loop3A_145 : i32
        %parallel_loop3A_147 = arith.constant 16 : i32
        %parallel_loop3A_148 = arith.muli %parallel_loop3A_146, %parallel_loop3A_147 : i32
        %parallel_loop3A_149 = arith.index_cast %parallel_loop3A_148 : i32 to index
        %parallel_loop3A_150 = tpu.vector_load %arg4[%parallel_loop3A_149] {strides = array<i32>} : memref<8192xf32, #tpu.memory_space<vmem>>, vector<16xf32>,
        %parallel_loop3A_151 = arith.maximumf %parallel_loop3A_125, %parallel_loop3A_150 : vector<16xf32>
        %parallel_loop3A_152 = arith.constant 3 : i32
        %parallel_loop3A_153 = arith.addi %parallel_loop3A_122, %parallel_loop3A_152 : i32
        %parallel_loop3A_154 = arith.constant 16 : i32
        %parallel_loop3A_155 = arith.muli %parallel_loop3A_153, %parallel_loop3A_154 : i32
        %parallel_loop3A_156 = arith.index_cast %parallel_loop3A_155 : i32 to index
        %parallel_loop3A_157 = tpu.vector_load %arg4[%parallel_loop3A_156] {strides = array<i32>} : memref<8192xf32, #tpu.memory_space<vmem>>, vector<16xf32>,
        %parallel_loop3A_158 = arith.maximumf %parallel_loop3A_126, %parallel_loop3A_157 : vector<16xf32>
        %parallel_loop3A_159 = arith.constant 4 : i32
        %parallel_loop3A_160 = arith.addi %parallel_loop3A_122, %parallel_loop3A_159 : i32
        %parallel_loop3A_161 = arith.constant 16 : i32
        %parallel_loop3A_162 = arith.muli %parallel_loop3A_160, %parallel_loop3A_161 : i32
        %parallel_loop3A_163 = arith.index_cast %parallel_loop3A_162 : i32 to index
        %parallel_loop3A_164 = tpu.vector_load %arg4[%parallel_loop3A_163] {strides = array<i32>} : memref<8192xf32, #tpu.memory_space<vmem>>, vector<16xf32>,
        %parallel_loop3A_165 = arith.maximumf %parallel_loop3A_127, %parallel_loop3A_164 : vector<16xf32>
        %parallel_loop3A_166 = arith.constant 5 : i32
        %parallel_loop3A_167 = arith.addi %parallel_loop3A_122, %parallel_loop3A_166 : i32
        %parallel_loop3A_168 = arith.constant 16 : i32
        %parallel_loop3A_169 = arith.muli %parallel_loop3A_167, %parallel_loop3A_168 : i32
        %parallel_loop3A_170 = arith.index_cast %parallel_loop3A_169 : i32 to index
        %parallel_loop3A_171 = tpu.vector_load %arg4[%parallel_loop3A_170] {strides = array<i32>} : memref<8192xf32, #tpu.memory_space<vmem>>, vector<16xf32>,
        %parallel_loop3A_172 = arith.maximumf %parallel_loop3A_128, %parallel_loop3A_171 : vector<16xf32>
        %parallel_loop3A_173 = arith.constant 6 : i32
        %parallel_loop3A_174 = arith.addi %parallel_loop3A_122, %parallel_loop3A_173 : i32
        %parallel_loop3A_175 = arith.constant 16 : i32
        %parallel_loop3A_176 = arith.muli %parallel_loop3A_174, %parallel_loop3A_175 : i32
        %parallel_loop3A_177 = arith.index_cast %parallel_loop3A_176 : i32 to index
        %parallel_loop3A_178 = tpu.vector_load %arg4[%parallel_loop3A_177] {strides = array<i32>} : memref<8192xf32, #tpu.memory_space<vmem>>, vector<16xf32>,
        %parallel_loop3A_179 = arith.maximumf %parallel_loop3A_129, %parallel_loop3A_178 : vector<16xf32>
        %parallel_loop3A_180 = arith.constant 7 : i32
        %parallel_loop3A_181 = arith.addi %parallel_loop3A_122, %parallel_loop3A_180 : i32
        %parallel_loop3A_182 = arith.constant 16 : i32
        %parallel_loop3A_183 = arith.muli %parallel_loop3A_181, %parallel_loop3A_182 : i32
        %parallel_loop3A_184 = arith.index_cast %parallel_loop3A_183 : i32 to index
        %parallel_loop3A_185 = tpu.vector_load %arg4[%parallel_loop3A_184] {strides = array<i32>} : memref<8192xf32, #tpu.memory_space<vmem>>, vector<16xf32>,
        %parallel_loop3A_186 = arith.maximumf %parallel_loop3A_130, %parallel_loop3A_185 : vector<16xf32>
        scf.yield %parallel_loop3A_137, %parallel_loop3A_144, %parallel_loop3A_151, %parallel_loop3A_158, %parallel_loop3A_165, %parallel_loop3A_172, %parallel_loop3A_179, %parallel_loop3A_186 : vector<16xf32>, vector<16xf32>, vector<16xf32>, vector<16xf32>, vector<16xf32>, vector<16xf32>, vector<16xf32>, vector<16xf32>
      } {sc.loop_unroll_factor = 1 : i64, sc.parallel_access}
      %max3A = arith.maximumf %parallel_loop3A_30#0, %parallel_loop3A_30#1 : vector<16xf32>
      %max3A_31 = arith.maximumf %max3A, %parallel_loop3A_30#2 : vector<16xf32>
      %max3A_32 = arith.maximumf %max3A_31, %parallel_loop3A_30#3 : vector<16xf32>
      %max3A_33 = arith.maximumf %max3A_32, %parallel_loop3A_30#4 : vector<16xf32>
      %max3A_34 = arith.maximumf %max3A_33, %parallel_loop3A_30#5 : vector<16xf32>
      %max3A_35 = arith.maximumf %max3A_34, %parallel_loop3A_30#6 : vector<16xf32>
      %max3A_36 = arith.maximumf %max3A_35, %parallel_loop3A_30#7 : vector<16xf32>
      %masked_sort3A = arith.constant dense<true> : vector<16xi1>
      %masked_sort3A_37, %masked_sort3A_38, %masked_sort3A_39 = tpu.sort %max3A_36, %max3A_36 masked %masked_sort3A {descending = true} : (vector<16xf32>, vector<16xf32>, vector<16xi1>) -> (vector<16xi1>, vector<16xf32>, vector<16xf32>)
      %broadcast_in_dim3A_40 = arith.constant true
      %broadcast_in_dim3A_41 = vector.broadcast %broadcast_in_dim3A_40 : i1 to vector<16xi1>
      %masked_cumsum3A = tpu.scan <sum>, %masked_sort3A_38 masked %broadcast_in_dim3A_41 : vector<16xf32>, vector<16xi1> -> vector<16xf32>
      %add3A_42 = arith.constant 1 : i32
      %add3A_43 = vector.broadcast %add3A_42 : i32 to vector<16xi32>
      %add3A_44 = arith.addi %iota3A, %add3A_43 : vector<16xi32>
      %convert_element_type3A = arith.sitofp %add3A_44 : vector<16xi32> to vector<16xf32>
      %sub3A = arith.constant 1.000000e+00 : f32
      %sub3A_45 = vector.broadcast %sub3A : f32 to vector<16xf32>
      %sub3A_46 = arith.subf %masked_cumsum3A, %sub3A_45 : vector<16xf32>
      %div3A = arith.divf %sub3A_46, %convert_element_type3A : vector<16xf32>
      %reduce_max3A = arith.constant true
      %reduce_max3A_47 = vector.broadcast %reduce_max3A : i1 to vector<16xi1>
      %reduce_max3A_48 = tpu.scan <max>, %div3A masked %reduce_max3A_47 : vector<16xf32>, vector<16xi1> -> vector<16xf32>
      %reduce_max3A_49 = vector.extract %reduce_max3A_48[15] : f32 from vector<16xf32>
      %abs3A = math.absf %reduce_max3A_49 : f32
      %mul3A_50 = arith.constant 1.000000e-03 : f32
      %mul3A_51 = arith.mulf %mul3A_50, %abs3A : f32
      %add3A_52 = arith.constant 1.000000e-03 : f32
      %add3A_53 = arith.addf %add3A_52, %mul3A_51 : f32
      %sub3A_54 = arith.subf %reduce_max3A_49, %add3A_53 : f32
      %parallel_loop3A_55 = arith.constant 0 : i32
      %parallel_loop3A_56 = arith.constant 512 : i32
      %parallel_loop3A_57 = arith.constant 1 : i32
      %parallel_loop3A_58 = arith.constant 0 : i32
      %parallel_loop3A_59:2 = scf.for %parallel_loop3A_122 = %parallel_loop3A_55 to %parallel_loop3A_56 step %parallel_loop3A_57 iter_args(%parallel_loop3A_123 = %parallel_loop3A_58, %parallel_loop3A_124 = %iota3A) -> (i32, vector<16xi32>)  : i32 {
        %parallel_loop3A_125 = arith.constant 16 : i32
        %parallel_loop3A_126 = arith.muli %parallel_loop3A_122, %parallel_loop3A_125 : i32
        %parallel_loop3A_127 = arith.index_cast %parallel_loop3A_126 : i32 to index
        %parallel_loop3A_128 = tpu.vector_load %arg4[%parallel_loop3A_127] {strides = array<i32>} : memref<8192xf32, #tpu.memory_space<vmem>>, vector<16xf32>,
        %parallel_loop3A_129 = vector.broadcast %sub3A_54 : f32 to vector<16xf32>
        %parallel_loop3A_130 = arith.cmpf ogt, %parallel_loop3A_128, %parallel_loop3A_129 : vector<16xf32>
        %parallel_loop3A_131 = arith.index_cast %parallel_loop3A_123 : i32 to index
        %parallel_loop3A_132 = tpu.vector_load %arg5[%parallel_loop3A_131] masked %parallel_loop3A_130 {strides = array<i32>} : memref<8192xi32, #tpu.memory_space<vmem>>, vector<16xi32>, vector<16xi1>
        tpu.vector_store %arg5[%parallel_loop3A_131], %parallel_loop3A_124 masked %parallel_loop3A_130 {strides = array<i32>} : memref<8192xi32, #tpu.memory_space<vmem>>, vector<16xi32>, vector<16xi1>
        %parallel_loop3A_133 = tpu.all_reduce %parallel_loop3A_130 {dim = 0 : i64, kind = #tpu.reduction_kind<sum>} : vector<16xi1> -> vector<16xi32>
        %parallel_loop3A_134 = vector.extract_strided_slice %parallel_loop3A_133 {offsets = [0], sizes = [1], strides = [1]} : vector<16xi32> to vector<1xi32>
        %parallel_loop3A_135 = vector.extract %parallel_loop3A_134[0] : i32 from vector<1xi32>
        %parallel_loop3A_136 = arith.addi %parallel_loop3A_123, %parallel_loop3A_135 : i32
        %parallel_loop3A_137 = arith.constant 16 : i32
        %parallel_loop3A_138 = vector.broadcast %parallel_loop3A_137 : i32 to vector<16xi32>
        %parallel_loop3A_139 = arith.addi %parallel_loop3A_124, %parallel_loop3A_138 : vector<16xi32>
        scf.yield %parallel_loop3A_136, %parallel_loop3A_139 : i32, vector<16xi32>
      } {sc.loop_unroll_factor = 8 : i64, sc.parallel_access}
      %add3A_60 = arith.constant 16 : i32
      %add3A_61 = arith.addi %parallel_loop3A_59#0, %add3A_60 : i32
      %sub3A_62 = arith.constant 1 : i32
      %sub3A_63 = arith.subi %add3A_61, %sub3A_62 : i32
      %jit3A = arith.constant 16 : i32
      %div3A_64 = arith.divsi %sub3A_63, %jit3A : i32
      %sign3A = arith.constant 0 : i32
      %sign3A_65 = arith.cmpi sgt, %sub3A_63, %sign3A : i32
      %sign3A_66 = arith.extui %sign3A_65 : i1 to i32
      %sign3A_67 = arith.constant 0 : i32
      %sign3A_68 = arith.cmpi slt, %sub3A_63, %sign3A_67 : i32
      %sign3A_69 = arith.extui %sign3A_68 : i1 to i32
      %sign3A_70 = arith.subi %sign3A_66, %sign3A_69 : i32
      %sign3A_71 = arith.constant 0 : i32
      %sign3A_72 = arith.cmpi sgt, %jit3A, %sign3A_71 : i32
      %sign3A_73 = arith.extui %sign3A_72 : i1 to i32
      %sign3A_74 = arith.constant 0 : i32
      %sign3A_75 = arith.cmpi slt, %jit3A, %sign3A_74 : i32
      %sign3A_76 = arith.extui %sign3A_75 : i1 to i32
      %sign3A_77 = arith.subi %sign3A_73, %sign3A_76 : i32
      %ne3A = arith.cmpi ne, %sign3A_70, %sign3A_77 : i32
      %rem3A = arith.remsi %sub3A_63, %jit3A : i32
      %ne3A_78 = arith.constant 0 : i32
      %ne3A_79 = arith.cmpi ne, %rem3A, %ne3A_78 : i32
      %and3A = arith.andi %ne3A, %ne3A_79 : i1
      %sub3A_80 = arith.constant 1 : i32
      %sub3A_81 = arith.subi %div3A_64, %sub3A_80 : i32
      %select_n3A = arith.select %and3A, %sub3A_81, %div3A_64 : i32
      %sub3A_82 = arith.constant 1.000000e+00 : f32
      %sub3A_83 = arith.subf %sub3A_54, %sub3A_82 : f32
      %while3A = arith.constant 0 : i32
      %while3A_84:3 = scf.while (%while3A_122 = %sub3A_54, %while3A_123 = %sub3A_83, %while3A_124 = %while3A) : (f32, f32, i32) -> (f32, f32, i32) {
        %ne3A_125 = arith.cmpf one, %while3A_122, %while3A_123 : f32
        %lt3A_126 = arith.constant 64 : i32
        %lt3A_127 = arith.cmpi slt, %while3A_124, %lt3A_126 : i32
        %and3A_128 = arith.andi %ne3A_125, %lt3A_127 : i1
        scf.condition(%and3A_128) %while3A_122, %while3A_123, %while3A_124 : f32, f32, i32
      } do {
      ^bb0(%while3A_122: f32, %while3A_123: f32, %while3A_124: i32):
        %while3A_125 = arith.constant 0 : i32
        %while3A_126 = arith.subi %select_n3A, %while3A_125 : i32
        %while3A_127 = arith.addi %while3A_125, %while3A_126 : i32
        %while3A_128 = arith.constant 1 : i32
        %while3A_129 = arith.divsi %while3A_126, %while3A_128 : i32
        %while3A_130 = arith.muli %while3A_129, %while3A_128 : i32
        %while3A_131 = arith.addi %while3A_125, %while3A_130 : i32
        %while3A_132 = arith.constant 1 : i32
        %while3A_133:2 = scf.for %while3A_152 = %while3A_125 to %while3A_131 step %while3A_132 iter_args(%while3A_153 = %broadcast_in_dim3A_1, %while3A_154 = %broadcast_in_dim3A_1) -> (vector<16xf32>, vector<16xf32>)  : i32 {
          %mul3A_155 = arith.constant 16 : i32
          %mul3A_156 = arith.muli %while3A_152, %mul3A_155 : i32
          %add3A_157 = vector.broadcast %mul3A_156 : i32 to vector<16xi32>
          %add3A_158 = arith.addi %add3A_157, %iota3A : vector<16xi32>
          %lt3A_159 = vector.broadcast %parallel_loop3A_59#0 : i32 to vector<16xi32>
          %lt3A_160 = arith.cmpi slt, %add3A_158, %lt3A_159 : vector<16xi32>
          %mul3A_161 = arith.constant 16 : i32
          %mul3A_162 = arith.muli %while3A_152, %mul3A_161 : i32
          %get3A = arith.index_cast %mul3A_162 : i32 to index
          %get3A_163 = tpu.vector_load %arg5[%get3A] {strides = array<i32>} : memref<8192xi32, #tpu.memory_space<vmem>>, vector<16xi32>,
          %gather3A = tpu.vector_load_idx %arg4[%get3A_163] masked %lt3A_160 : memref<8192xf32, #tpu.memory_space<vmem>>[vector<16xi32>], vector<16xf32>, vector<16xi1>
          %gt3A = vector.broadcast %while3A_122 : f32 to vector<16xf32>
          %gt3A_164 = arith.cmpf ogt, %gather3A, %gt3A : vector<16xf32>
          %and3A_165 = arith.andi %lt3A_160, %gt3A_164 : vector<16xi1>
          %jit3A_166 = arith.constant 0.000000e+00 : f32
          %broadcast_in_dim3A_167 = vector.broadcast %jit3A_166 : f32 to vector<16xf32>
          %select_n3A_168 = arith.select %and3A_165, %gather3A, %broadcast_in_dim3A_167 : vector<16xi1>, vector<16xf32>
          %add3A_169 = arith.addf %while3A_153, %select_n3A_168 : vector<16xf32>
          %jit3A_170 = arith.constant 1.000000e+00 : f32
          %jit3A_171 = arith.constant 0.000000e+00 : f32
          %broadcast_in_dim3A_172 = vector.broadcast %jit3A_170 : f32 to vector<16xf32>
          %broadcast_in_dim3A_173 = vector.broadcast %jit3A_171 : f32 to vector<16xf32>
          %select_n3A_174 = arith.select %and3A_165, %broadcast_in_dim3A_172, %broadcast_in_dim3A_173 : vector<16xi1>, vector<16xf32>
          %add3A_175 = arith.addf %while3A_154, %select_n3A_174 : vector<16xf32>
          scf.yield %add3A_169, %add3A_175 : vector<16xf32>, vector<16xf32>
        }
        %while3A_134 = arith.constant 1 : i32
        %while3A_135:2 = scf.for %while3A_152 = %while3A_131 to %while3A_127 step %while3A_134 iter_args(%while3A_153 = %while3A_133#0, %while3A_154 = %while3A_133#1) -> (vector<16xf32>, vector<16xf32>)  : i32 {
          %mul3A_155 = arith.constant 16 : i32
          %mul3A_156 = arith.muli %while3A_152, %mul3A_155 : i32
          %add3A_157 = vector.broadcast %mul3A_156 : i32 to vector<16xi32>
          %add3A_158 = arith.addi %add3A_157, %iota3A : vector<16xi32>
          %lt3A_159 = vector.broadcast %parallel_loop3A_59#0 : i32 to vector<16xi32>
          %lt3A_160 = arith.cmpi slt, %add3A_158, %lt3A_159 : vector<16xi32>
          %mul3A_161 = arith.constant 16 : i32
          %mul3A_162 = arith.muli %while3A_152, %mul3A_161 : i32
          %get3A = arith.index_cast %mul3A_162 : i32 to index
          %get3A_163 = tpu.vector_load %arg5[%get3A] {strides = array<i32>} : memref<8192xi32, #tpu.memory_space<vmem>>, vector<16xi32>,
          %gather3A = tpu.vector_load_idx %arg4[%get3A_163] masked %lt3A_160 : memref<8192xf32, #tpu.memory_space<vmem>>[vector<16xi32>], vector<16xf32>, vector<16xi1>
          %gt3A = vector.broadcast %while3A_122 : f32 to vector<16xf32>
          %gt3A_164 = arith.cmpf ogt, %gather3A, %gt3A : vector<16xf32>
          %and3A_165 = arith.andi %lt3A_160, %gt3A_164 : vector<16xi1>
          %jit3A_166 = arith.constant 0.000000e+00 : f32
          %broadcast_in_dim3A_167 = vector.broadcast %jit3A_166 : f32 to vector<16xf32>
          %select_n3A_168 = arith.select %and3A_165, %gather3A, %broadcast_in_dim3A_167 : vector<16xi1>, vector<16xf32>
          %add3A_169 = arith.addf %while3A_153, %select_n3A_168 : vector<16xf32>
          %jit3A_170 = arith.constant 1.000000e+00 : f32
          %jit3A_171 = arith.constant 0.000000e+00 : f32
          %broadcast_in_dim3A_172 = vector.broadcast %jit3A_170 : f32 to vector<16xf32>
          %broadcast_in_dim3A_173 = vector.broadcast %jit3A_171 : f32 to vector<16xf32>
          %select_n3A_174 = arith.select %and3A_165, %broadcast_in_dim3A_172, %broadcast_in_dim3A_173 : vector<16xi1>, vector<16xf32>
          %add3A_175 = arith.addf %while3A_154, %select_n3A_174 : vector<16xf32>
          scf.yield %add3A_169, %add3A_175 : vector<16xf32>, vector<16xf32>
        }
        %reduce_sum3A = arith.constant true
        %reduce_sum3A_136 = vector.broadcast %reduce_sum3A : i1 to vector<16xi1>
        %reduce_sum3A_137 = tpu.scan <sum>, %while3A_135#0 masked %reduce_sum3A_136 : vector<16xf32>, vector<16xi1> -> vector<16xf32>
        %reduce_sum3A_138 = vector.extract %reduce_sum3A_137[15] : f32 from vector<16xf32>
        %reduce_sum3A_139 = arith.constant true
        %reduce_sum3A_140 = vector.broadcast %reduce_sum3A_139 : i1 to vector<16xi1>
        %reduce_sum3A_141 = tpu.scan <sum>, %while3A_135#1 masked %reduce_sum3A_140 : vector<16xf32>, vector<16xi1> -> vector<16xf32>
        %reduce_sum3A_142 = vector.extract %reduce_sum3A_141[15] : f32 from vector<16xf32>
        %max3A_143 = arith.constant 1.000000e+00 : f32
        %max3A_144 = arith.maximumf %reduce_sum3A_142, %max3A_143 : f32
        %sub3A_145 = arith.constant 1.000000e+00 : f32
        %sub3A_146 = arith.subf %reduce_sum3A_138, %sub3A_145 : f32
        %broadcast_in_dim3A_147 = vector.broadcast %sub3A_146 : f32 to vector<16xf32>
        %broadcast_in_dim3A_148 = vector.broadcast %max3A_144 : f32 to vector<16xf32>
        %div3A_149 = arith.divf %broadcast_in_dim3A_147, %broadcast_in_dim3A_148 : vector<16xf32>
        %slice3A = vector.extract_strided_slice %div3A_149 {offsets = [0], sizes = [1], strides = [1]} : vector<16xf32> to vector<1xf32>
        %squeeze3A = vector.extract %slice3A[0] : f32 from vector<1xf32>
        %add3A_150 = arith.constant 1 : i32
        %add3A_151 = arith.addi %while3A_124, %add3A_150 : i32
        scf.yield %squeeze3A, %while3A_122, %add3A_151 : f32, f32, i32
      }
      %while3A_85 = arith.constant 0 : i32
      %while3A_86 = arith.constant 0 : i32
      %while3A_87 = arith.subi %select_n3A, %while3A_86 : i32
      %while3A_88 = arith.addi %while3A_86, %while3A_87 : i32
      %while3A_89 = arith.constant 1 : i32
      %while3A_90 = arith.divsi %while3A_87, %while3A_89 : i32
      %while3A_91 = arith.muli %while3A_90, %while3A_89 : i32
      %while3A_92 = arith.addi %while3A_86, %while3A_91 : i32
      %while3A_93 = arith.constant 1 : i32
      scf.for %while3A_122 = %while3A_86 to %while3A_92 step %while3A_93  : i32 {
        %mul3A_123 = arith.constant 16 : i32
        %mul3A_124 = arith.muli %while3A_122, %mul3A_123 : i32
        %add3A_125 = vector.broadcast %mul3A_124 : i32 to vector<16xi32>
        %add3A_126 = arith.addi %add3A_125, %iota3A : vector<16xi32>
        %lt3A_127 = vector.broadcast %parallel_loop3A_59#0 : i32 to vector<16xi32>
        %lt3A_128 = arith.cmpi slt, %add3A_126, %lt3A_127 : vector<16xi32>
        %mul3A_129 = arith.constant 16 : i32
        %mul3A_130 = arith.muli %while3A_122, %mul3A_129 : i32
        %get3A = arith.index_cast %mul3A_130 : i32 to index
        %get3A_131 = tpu.vector_load %arg5[%get3A] {strides = array<i32>} : memref<8192xi32, #tpu.memory_space<vmem>>, vector<16xi32>,
        %gather3A = tpu.vector_load_idx %arg4[%get3A_131] masked %lt3A_128 : memref<8192xf32, #tpu.memory_space<vmem>>[vector<16xi32>], vector<16xf32>, vector<16xi1>
        %gt3A = vector.broadcast %while3A_84#0 : f32 to vector<16xf32>
        %gt3A_132 = arith.cmpf ogt, %gather3A, %gt3A : vector<16xf32>
        %and3A_133 = arith.andi %lt3A_128, %gt3A_132 : vector<16xi1>
        %sub3A_134 = vector.broadcast %while3A_84#0 : f32 to vector<16xf32>
        %sub3A_135 = arith.subf %gather3A, %sub3A_134 : vector<16xf32>
        tpu.vector_store_idx %arg6[%get3A_131], %sub3A_135 masked %and3A_133 : memref<8192xf32, #tpu.memory_space<vmem>>[vector<16xi32>], vector<16xf32>, vector<16xi1>
      }
      %while3A_94 = arith.constant 1 : i32
      scf.for %while3A_122 = %while3A_92 to %while3A_88 step %while3A_94  : i32 {
        %mul3A_123 = arith.constant 16 : i32
        %mul3A_124 = arith.muli %while3A_122, %mul3A_123 : i32
        %add3A_125 = vector.broadcast %mul3A_124 : i32 to vector<16xi32>
        %add3A_126 = arith.addi %add3A_125, %iota3A : vector<16xi32>
        %lt3A_127 = vector.broadcast %parallel_loop3A_59#0 : i32 to vector<16xi32>
        %lt3A_128 = arith.cmpi slt, %add3A_126, %lt3A_127 : vector<16xi32>
        %mul3A_129 = arith.constant 16 : i32
        %mul3A_130 = arith.muli %while3A_122, %mul3A_129 : i32
        %get3A = arith.index_cast %mul3A_130 : i32 to index
        %get3A_131 = tpu.vector_load %arg5[%get3A] {strides = array<i32>} : memref<8192xi32, #tpu.memory_space<vmem>>, vector<16xi32>,
        %gather3A = tpu.vector_load_idx %arg4[%get3A_131] masked %lt3A_128 : memref<8192xf32, #tpu.memory_space<vmem>>[vector<16xi32>], vector<16xf32>, vector<16xi1>
        %gt3A = vector.broadcast %while3A_84#0 : f32 to vector<16xf32>
        %gt3A_132 = arith.cmpf ogt, %gather3A, %gt3A : vector<16xf32>
        %and3A_133 = arith.andi %lt3A_128, %gt3A_132 : vector<16xi1>
        %sub3A_134 = vector.broadcast %while3A_84#0 : f32 to vector<16xf32>
        %sub3A_135 = arith.subf %gather3A, %sub3A_134 : vector<16xf32>
        tpu.vector_store_idx %arg6[%get3A_131], %sub3A_135 masked %and3A_133 : memref<8192xf32, #tpu.memory_space<vmem>>[vector<16xi32>], vector<16xf32>, vector<16xi1>
      }
      %dma_start3A_95 = arith.constant 0 : i32
      %dma_start3A_96 = tpu.memref_slice %arg3[%add3A_19, %dma_start3A_95] : memref<64x8192xf32, #tpu.memory_space<hbm>> -> memref<1x8192xf32, #tpu.memory_space<hbm>>
      %dma_start3A_97 = tpu.memref_squeeze %dma_start3A_96 : memref<1x8192xf32, #tpu.memory_space<hbm>> -> memref<8192xf32, #tpu.memory_space<hbm>>
      %dma_start3A_98 = arith.constant 0 : i32
      %dma_start3A_99 = tpu.memref_slice %arg3[%add3A_19, %dma_start3A_98] : memref<64x8192xf32, #tpu.memory_space<hbm>> -> memref<1x8192xf32, #tpu.memory_space<hbm>>
      %dma_start3A_100 = tpu.memref_squeeze %dma_start3A_99 : memref<1x8192xf32, #tpu.memory_space<hbm>> -> memref<8192xf32, #tpu.memory_space<hbm>>
      tpu.enqueue_dma source(%arg6 : memref<8192xf32, #tpu.memory_space<vmem>>) target(%dma_start3A_100 : memref<8192xf32, #tpu.memory_space<hbm>>) target_semaphore(%arg8 : memref<!tpu.dma_semaphore, #tpu.memory_space<semaphore_mem>>)
      %add3A_101 = arith.constant 1 : i32
      %add3A_102 = arith.addi %scan3A_16, %add3A_101 : i32
      %lt3A = arith.constant 2 : i32
      %lt3A_103 = arith.cmpi slt, %add3A_102, %lt3A : i32
      %convert_element_type3A_104 = arith.extui %lt3A_103 : i1 to i32
      %cond3A = arith.constant 0 : i32
      %cond3A_105 = arith.cmpi ne, %convert_element_type3A_104, %cond3A : i32
      scf.if %cond3A_105 {
        %add3A_122 = arith.constant 1 : i32
        %add3A_123 = arith.addi %add3A_19, %add3A_122 : i32
        %dma_start3A_124 = arith.constant 0 : i32
        %dma_start3A_125 = tpu.memref_slice %arg2[%add3A_123, %dma_start3A_124] : memref<64x8192xf32, #tpu.memory_space<hbm>> -> memref<1x8192xf32, #tpu.memory_space<hbm>>
        %dma_start3A_126 = tpu.memref_squeeze %dma_start3A_125 : memref<1x8192xf32, #tpu.memory_space<hbm>> -> memref<8192xf32, #tpu.memory_space<hbm>>
        %dma_start3A_127 = arith.constant 0 : i32
        %dma_start3A_128 = tpu.memref_slice %arg2[%add3A_123, %dma_start3A_127] : memref<64x8192xf32, #tpu.memory_space<hbm>> -> memref<1x8192xf32, #tpu.memory_space<hbm>>
        %dma_start3A_129 = tpu.memref_squeeze %dma_start3A_128 : memref<1x8192xf32, #tpu.memory_space<hbm>> -> memref<8192xf32, #tpu.memory_space<hbm>>
        tpu.enqueue_dma source(%dma_start3A_129 : memref<8192xf32, #tpu.memory_space<hbm>>) target(%arg4 : memref<8192xf32, #tpu.memory_space<vmem>>) target_semaphore(%arg7 : memref<!tpu.dma_semaphore, #tpu.memory_space<semaphore_mem>>)
      } else {
      }
      %dma_wait3A_106 = arith.constant 0 : i32
      %dma_wait3A_107 = tpu.memref_slice %arg3[%add3A_19, %dma_wait3A_106] : memref<64x8192xf32, #tpu.memory_space<hbm>> -> memref<1x8192xf32, #tpu.memory_space<hbm>>
      %dma_wait3A_108 = tpu.memref_squeeze %dma_wait3A_107 : memref<1x8192xf32, #tpu.memory_space<hbm>> -> memref<8192xf32, #tpu.memory_space<hbm>>
      %dma_wait3A_109 = arith.constant 0 : i32
      %dma_wait3A_110 = tpu.memref_slice %arg3[%add3A_19, %dma_wait3A_109] : memref<64x8192xf32, #tpu.memory_space<hbm>> -> memref<1x8192xf32, #tpu.memory_space<hbm>>
      %dma_wait3A_111 = tpu.memref_squeeze %dma_wait3A_110 : memref<1x8192xf32, #tpu.memory_space<hbm>> -> memref<8192xf32, #tpu.memory_space<hbm>>
      tpu.wait_dma2 semaphore(%arg8 : memref<!tpu.dma_semaphore, #tpu.memory_space<semaphore_mem>>) src(%arg6 : memref<8192xf32, #tpu.memory_space<vmem>>) dst(%dma_wait3A_111 : memref<8192xf32, #tpu.memory_space<hbm>>)
      %while3A_112 = arith.constant 0 : i32
      %while3A_113 = arith.constant 0 : i32
      %while3A_114 = arith.subi %select_n3A, %while3A_113 : i32
      %while3A_115 = arith.addi %while3A_113, %while3A_114 : i32
      %while3A_116 = arith.constant 1 : i32
      %while3A_117 = arith.divsi %while3A_114, %while3A_116 : i32
      %while3A_118 = arith.muli %while3A_117, %while3A_116 : i32
      %while3A_119 = arith.addi %while3A_113, %while3A_118 : i32
      %while3A_120 = arith.constant 1 : i32
      scf.for %while3A_122 = %while3A_113 to %while3A_119 step %while3A_120  : i32 {
        %mul3A_123 = arith.constant 16 : i32
        %mul3A_124 = arith.muli %while3A_122, %mul3A_123 : i32
        %add3A_125 = vector.broadcast %mul3A_124 : i32 to vector<16xi32>
        %add3A_126 = arith.addi %add3A_125, %iota3A : vector<16xi32>
        %lt3A_127 = vector.broadcast %parallel_loop3A_59#0 : i32 to vector<16xi32>
        %lt3A_128 = arith.cmpi slt, %add3A_126, %lt3A_127 : vector<16xi32>
        %mul3A_129 = arith.constant 16 : i32
        %mul3A_130 = arith.muli %while3A_122, %mul3A_129 : i32
        %get3A = arith.index_cast %mul3A_130 : i32 to index
        %get3A_131 = tpu.vector_load %arg5[%get3A] {strides = array<i32>} : memref<8192xi32, #tpu.memory_space<vmem>>, vector<16xi32>,
        tpu.vector_store_idx %arg6[%get3A_131], %broadcast_in_dim3A_1 masked %lt3A_128 : memref<8192xf32, #tpu.memory_space<vmem>>[vector<16xi32>], vector<16xf32>, vector<16xi1>
      }
      %while3A_121 = arith.constant 1 : i32
      scf.for %while3A_122 = %while3A_119 to %while3A_115 step %while3A_121  : i32 {
        %mul3A_123 = arith.constant 16 : i32
        %mul3A_124 = arith.muli %while3A_122, %mul3A_123 : i32
        %add3A_125 = vector.broadcast %mul3A_124 : i32 to vector<16xi32>
        %add3A_126 = arith.addi %add3A_125, %iota3A : vector<16xi32>
        %lt3A_127 = vector.broadcast %parallel_loop3A_59#0 : i32 to vector<16xi32>
        %lt3A_128 = arith.cmpi slt, %add3A_126, %lt3A_127 : vector<16xi32>
        %mul3A_129 = arith.constant 16 : i32
        %mul3A_130 = arith.muli %while3A_122, %mul3A_129 : i32
        %get3A = arith.index_cast %mul3A_130 : i32 to index
        %get3A_131 = tpu.vector_load %arg5[%get3A] {strides = array<i32>} : memref<8192xi32, #tpu.memory_space<vmem>>, vector<16xi32>,
        tpu.vector_store_idx %arg6[%get3A_131], %broadcast_in_dim3A_1 masked %lt3A_128 : memref<8192xf32, #tpu.memory_space<vmem>>[vector<16xi32>], vector<16xf32>, vector<16xi1>
      }
    }
    %scan3A_15 = arith.constant 2 : i32
    return
  }
}

</mosaic_0001>

<sc_bundles>
// kernel: kernel.3.cloned.1.call-start
scs
__scs_entry_jumppad:
0x0: {  	(pc) =	sbr.rel $0x88, $3  }
0x1: {  	(tag) =	ssettag $0x0;
	lr =	simm.s32 $0x1  }
0x2: {  	[smem:$0x3FA0] =	sst lr;
	_ =	strace $0xD0000000  }
0x3: {  	_ = 	snop  }
0x4: {  	_ = 	snop  }
0x5: {  	_ = 	snop  }
0x6: {  	_ = 	snop  }
0x7: {  	_ = 	snop  }
__scs_overlays_trampoline_lowered:
0x8: {  	[smem:$0x3FAF] =	sst s0  }
0x9: {  	[smem:$0x3FB0] =	sst s1  }
0xa: {  	[smem:$0x3FB1] =	sst s2  }
0xb: {  	[smem:$0x3FB2] =	sst s3  }
0xc: {  	[smem:$0x3FB3] =	sst s4  }
0xd: {  	[smem:$0x3FB4] =	sst s5  }
0xe: {  	[smem:$0x3FB5] =	sst s6  }
0xf: {  	[smem:$0x3FB6] =	sst s7  }
0x10: {  	[smem:$0x3FB7] =	sst s8  }
0x11: {  	[smem:$0x3FB8] =	sst s9;
	s0 =	simm.s32 @!p0 $0x0  }
0x12: {  	s1 =	sld [smem:$0x3F9E];
	s0 =	simm.s32 @p0 $0x1  }
0x13: {  	[smem:$0x3FB9] =	sst s0;
	s0 =	simm.s32 @!p1 $0x0  }
0x14: {  	s2 =	sld [smem:$0x3F9D];
	s0 =	simm.s32 @p1 $0x1  }
0x15: {  	[smem:$0x3FBA] =	sst s0;
	s0 =	simm.s32 @!p2 $0x0  }
0x16: {  	s3 =	sld [smem:$0x3FDB];
	s0 =	simm.s32 @p2 $0x1  }
0x17: {  	s4 =	simm.s32 $0x1BF5;
	[smem:$0x3FBC] =	sst s0  }
0x18: {  	s0 =	sld [smem:$0x3F9F];
	_ =	swait.ge [sflag:s4], $0x0  }
0x19: {  	s7 =	sld [smem:$0x3FA0]  }
0x1a: {  	s8 =	sadd.s32 $0xFFFFE003, lr  }
0x1b: {  	s9 =	sadd.s32 $0xFFFFFEF7, lr;
	s5 =	simm.s32 $0xFFFFFFFF;
	p2 =	slt.u32 s8, $0xFFFFF086  }
0x1c: {  	p1 =	slt.u32 s9, $0xF7A;
	s5 =	simm.s32 @!p2 $0x0  }
0x1d: {  	s5 =	simm.s32 @p1 $0x1;
	p0 =	seq.s32 s7, s2  }
0x1e: {  	s7 =	smul.u32 @!p0 $0xF7A, s2;
	p2 =	seq.s32 @!p0 s5, $0x0  }
0x1f: {  	s9 =	smul.u32 $0xF7A, s1;
	s8 =	simm.s32 @!p0 $0x1BF5;
	p2 =	por !p2, p0  }
0x20: {  	[sflag:s8] =	ssyncset.s32 @!p0 $0xFFFFF086;
	s6 =	sadd.s32 @!p0 s3, s7;
	s7 =	simm.s32 @!p0 $0x108  }
0x21: {  	s3 =	sadd.s32 s3, s9;
	s6 =	sadd.s32 @!p0 $0x88, s6;
	s7 =	simm.s32 @p2 $0x1082  }
0x22: {  	[simem:s7], [sflag:s8] =	dma.local @!p0 [hbm:s6], $0xF7A  }
0x23: {  	s9 =	sor.u32 $0xD0000000, s2;
	s6 =	simm.s32 $0x108;
	_ =	swait.ge @!p0 [sflag:s8], $0x0  }
0x24: {  	s3 =	sadd.s32 $0x88, s3;
	s6 =	simm.s32 @!p1 $0x1082;
	[sflag:s4] =	ssyncset.s32 $0xFFFFF086  }
0x25: {  	[simem:s6], [sflag:s4] =	dma.local [hbm:s3], $0xF7A  }
0x26: {  	[smem:$0x3FA0] =	sst s1;
	(tag) =	ssettag s2;
	_ =	strace s9  }
0x27: {  	s1 =	sld [smem:$0x3FB0]  }
0x28: {  	s2 =	sld [smem:$0x3FB1]  }
0x29: {  	s4 =	sld [smem:$0x3FB3]  }
0x2a: {  	p0 =	seq.s32 s5, $0x0;
	s5 =	sld [smem:$0x3FB4]  }
0x2b: {  	s6 =	sld [smem:$0x3FB5]  }
0x2c: {  	s7 =	sld [smem:$0x3FB6]  }
0x2d: {  	s3 =	simm.s32 $0x108;
	s8 =	sld [smem:$0x3FB7]  }
0x2e: {  	s3 =	simm.s32 @!p0 $0x1082;
	s9 =	sld [smem:$0x3FB8]  }
0x2f: {  	lr =	sadd.s32 s0, s3;
	s0 =	sld [smem:$0x3FAF]  }
0x30: {  	s3 =	sld [smem:$0x3FB2]  }
0x31: {  	[smem:$0x3FBB] =	sst s10  }
0x32: {  	s10 =	sld [smem:$0x3FB9];
	_ =	sdelay $0x3  }
0x33: {  	p0 =	seq.s32 s10, $0x1;
	s10 =	sld [smem:$0x3FBB];
	_ =	sdelay $0x3  }
0x34: {  	[smem:$0x3FBB] =	sst s10  }
0x35: {  	s10 =	sld [smem:$0x3FBA];
	_ =	sdelay $0x3  }
0x36: {  	p1 =	seq.s32 s10, $0x1;
	s10 =	sld [smem:$0x3FBB];
	_ =	sdelay $0x3  }
0x37: {  	[smem:$0x3FBB] =	sst s10  }
0x38: {  	s10 =	sld [smem:$0x3FBC]  }
0x39: {  	_ = 	snop;
	(pc) =	sbr.ind lr, $3  }
0x3a: {  	_ = 	snop  }
0x3b: {  	_ = 	snop  }
0x3c: {  	p2 =	seq.s32 s10, $0x1;
	s10 =	sld [smem:$0x3FBB]  }
0x3d: {  	_ =	shalt  }
0x3e: {  	_ =	shalt  }
0x3f: {  	_ =	shalt  }
0x40: {  	_ =	shalt  }
0x41: {  	_ =	shalt  }
0x42: {  	_ =	shalt  }
0x43: {  	_ =	shalt  }
0x44: {  	_ =	shalt  }
0x45: {  	_ =	shalt  }
0x46: {  	_ =	shalt  }
0x47: {  	_ =	shalt  }
0x48: {  	_ =	shalt  }
0x49: {  	_ =	shalt  }
0x4a: {  	_ =	shalt  }
0x4b: {  	_ =	shalt  }
0x4c: {  	_ =	shalt  }
0x4d: {  	_ =	shalt  }
0x4e: {  	_ =	shalt  }
0x4f: {  	_ =	shalt  }
0x50: {  	_ =	shalt  }
0x51: {  	_ =	shalt  }
0x52: {  	_ =	shalt  }
0x53: {  	_ =	shalt  }
0x54: {  	_ =	shalt  }
0x55: {  	_ =	shalt  }
0x56: {  	_ =	shalt  }
0x57: {  	_ =	shalt  }
0x58: {  	_ =	shalt  }
0x59: {  	_ =	shalt  }
0x5a: {  	_ =	shalt  }
0x5b: {  	_ =	shalt  }
0x5c: {  	_ =	shalt  }
0x5d: {  	_ =	shalt  }
0x5e: {  	_ =	shalt  }
0x5f: {  	_ =	shalt  }
0x60: {  	_ =	shalt  }
0x61: {  	_ =	shalt  }
0x62: {  	_ =	shalt  }
0x63: {  	_ =	shalt  }
0x64: {  	_ =	shalt  }
0x65: {  	_ =	shalt  }
0x66: {  	_ =	shalt  }
0x67: {  	_ =	shalt  }
0x68: {  	_ =	shalt  }
0x69: {  	_ =	shalt  }
0x6a: {  	_ =	shalt  }
0x6b: {  	_ =	shalt  }
0x6c: {  	_ =	shalt  }
0x6d: {  	_ =	shalt  }
0x6e: {  	_ =	shalt  }
0x6f: {  	_ =	shalt  }
0x70: {  	_ =	shalt  }
0x71: {  	_ =	shalt  }
0x72: {  	_ =	shalt  }
0x73: {  	_ =	shalt  }
0x74: {  	_ =	shalt  }
0x75: {  	_ =	shalt  }
0x76: {  	_ =	shalt  }
0x77: {  	_ =	shalt  }
0x78: {  	_ =	shalt  }
0x79: {  	_ =	shalt  }
0x7a: {  	_ =	shalt  }
0x7b: {  	_ =	shalt  }
0x7c: {  	_ =	shalt  }
0x7d: {  	_ =	shalt  }
0x7e: {  	_ =	shalt  }
0x7f: {  	_ =	shalt  }
0x80: {  	_ =	shalt  }
0x81: {  	_ =	shalt  }
0x82: {  	_ =	shalt  }
0x83: {  	_ =	shalt  }
0x84: {  	_ =	shalt  }
0x85: {  	_ =	shalt  }
0x86: {  	_ =	shalt  }
0x87: {  	_ =	shalt  }
.Lfunc_end0:
.L_simem_size_0:
called_computation_lowered:
.L_overlay_start_0:
0x88: {  	s2 =	sld [smem:$0x3FD9]  }
0x89: {  	s3 =	sld [smem:$0x3FFE];
	_ =	sdelay $0x1  }
0x8a: {  	s1 =	srdreg.scid  }
0x8b: {  	s0 =	sand.u32 $0x1, s1  }
0x8c: {  	s18 =	sshll.u32 s0, $0xA;
	s2 =	sadd.s32 s3, s2  }
0x8d: {  	s2 =	sadd.s32 s2, s18  }
0x8e: {  	[smem:$0x3FC7] =	sst s2  }
0x8f: {  	_ = 	snop  }
0x90: {  	s2 =	sld [smem:$0x3FC9]  }
0x91: {  	s19 =	sld [smem:$0x3FD0];
	(tm) =	ssettm $0x1  }
0x92: {  	s4 =	sld [smem:$0x3FFB];
	_ =	sdelay $0x3  }
0x93: {  	_ =	strace s4  }
0x94: {  	s4 =	sld [smem:$0x3FFC];
	_ =	sdelay $0x3  }
0x95: {  	_ =	strace s4  }
0x96: {  	s4 =	sld [smem:$0x3FFD];
	_ =	sdelay $0x3  }
0x97: {  	_ =	strace s4  }
0x98: {  	_ =	strace $0x8FFFFFFF  }
0x99: {  	s20 =	sld [smem:$0x3FDB];
	_ =	sdelay $0x1  }
0x9a: {  	s5 =	simm.s32 $_scs_section_size  }
0x9b: {  	s6 =	simm.s32 $_size__tile_overlayer_lowered;
	s7 =	simm.s32 $_tile_overlayer_lowered  }
0x9c: {  	s23 =	simm.s32 $0x1BFF;
	s22 =	sshll.u32 s7, $0x1;
	s4 =	sadd.s32 s5, s20  }
0x9d: {  	s8 =	simm.s32 $0x0;
	s21 =	sshll.u32 s6, $0x1;
	s6 =	sadd.s32 s22, s4  }
0x9e: {  	[timem:s8], [sflag:s23] =	dma.local [hbm:s6], s21  }
0x9f: {  	_ =	swait.ge [sflag:s23], s21  }
0xa0: {  	s5 =	ssub.s32 $0x0, s21;
	[sflag:s23] =	ssyncset.done $0x0  }
0xa1: {  	[sflag:s23] =	ssyncadd.s32 s5;
	_ =	sdelay $0x1  }
0xa2: {  	s24 =	simm.s32 $0x1B8B  }
0xa3: {  	_ =	swait.ge [sflag:s24], $0x1  }
0xa4: {  	[sflag:s24] =	ssyncset.done $0x0  }
0xa5: {  	s25 =	simm.s32 $0x1B8E;
	[sflag:s24] =	ssyncadd.s32 $0xFFFFFFFF  }
0xa6: {  	s26 =	simm.s32 $execute0_lowered;
	[smem:$0x3FD2] =	sst s25  }
0xa7: {  	s5 =	sshll.u32 s26, $0x1;
	_ =	strace $0x80000046;
	[dreg:$0x1] =	wrdreg $0xFFFFFFFF  }
0xa8: {  	s28 =	simm.s32 $_size_execute0_lowered;
	s4 =	sadd.s32 s4, s5;
	[dreg:$0x0] =	wrdreg $0x0  }
0xa9: {  	s5 =	sshll.u32 s28, $0x1;
	[dreg:$0x2] =	wrdreg s4  }
0xaa: {  	[dreg:$0x3] =	wrdreg s5  }
0xab: {  	[dreg:$0x4] =	wrdreg $0xC0  }
0xac: {  	_ =	task [dreg:s8], $0x5FFFF  }
0xad: {  	[dreg:$0x1] =	wrdreg $0xFFFFFFFF  }
0xae: {  	[dreg:$0x0] =	wrdreg $0x60  }
0xaf: {  	[dreg:$0x2] =	wrdreg s2  }
0xb0: {  	[dreg:$0x3] =	wrdreg s19  }
0xb1: {  	[dreg:$0x4] =	wrdreg $0x9  }
0xb2: {  	_ =	task.clear_ibuf [dreg:s8], $0x5FFFF;
	_ =	strace $0x90000046  }
0xb3: {  	s29 =	simm.s32 $0x9;
	_ =	strace $0x80000048  }
0xb4: {  	_ =	swait.ge [sflag:s29], $0x1  }
0xb5: {  	[sflag:s29] =	ssyncadd.s32 $0xFFFFFFFF  }
0xb6: {  	_ =	strace $0x90000048  }
0xb7: {  	_ =	sfence  }
0xb8: {  	s30 =	sld [smem:$0x0];
	_ =	sdelay $0x2  }
0xb9: {  	s31 =	sshll.u32 s1, $0xD;
	s1 =	sshrl.u32 s1, $0x2  }
0xba: {  	s3 =	sand.u32 $0x4000, s31;
	s1 =	sadd.s32 s1, s30  }
0xbb: {  	s0 =	sor.u32 s3, s0;
	s1 =	sshll.u32 s1, $0x11  }
0xbc: {  	s0 =	sor.u32 s1, s0  }
0xbd: {  	s0 =	sadd.s32 $0x8F2B, s0  }
0xbe: {  	[sflag:s0] =	ssyncadd.remote.s32 $0x1  }
0xbf: {  	_ =	sfence.sel $0xFFFF  }
0xc0: {  	[dreg:$0x0] =	wrdreg $0xFFFFFFFF;
	(pc) =	sbr.abs _section_cstart, $3  }
0xc1: {  	[dreg:$0x1] =	wrdreg $0xFFFFFFFF  }
0xc2: {  	_ =	task.clear_ibuf [dreg:s8], $0x2FFFF;
	_ =	strace $0x9FFFFFFF  }
0xc3: {  	(tm) =	ssettm $0x7FFFFFFF  }
tec
execute0_lowered:
.L_overlay_start_1:
0x0: {  	(tag) =	ssettag $0x1  }
0x1: {  	v0 =	vimm.f32 $1.600000000e+01;
	vm0 =	vcmask $0x300  }
0x2: {  	vm14 =	vcmask $0x704;
	v0 =	vsel vm0, $0x3F800000, v0  }
0x3: {  	vm15 =	vcmask $0xB08;
	v0 =	vsel vm14, $0x40000000, v0  }
0x4: {  	vm4 =	vcmask $0xF0C;
	v0 =	vsel vm15, $0x40400000, v0  }
0x5: {  	vm5 =	vcmask $0x1310;
	v0 =	vsel vm4, $0x40800000, v0  }
0x6: {  	vm6 =	vcmask $0x1714;
	v0 =	vsel vm5, $0x40A00000, v0  }
0x7: {  	vm7 =	vcmask $0x1B18;
	v0 =	vsel vm6, $0x40C00000, v0  }
0x8: {  	vm8 =	vcmask $0x1F1C;
	v0 =	vsel vm7, $0x40E00000, v0  }
0x9: {  	vm9 =	vcmask $0x2320;
	v0 =	vsel vm8, $0x41000000, v0  }
0xa: {  	vm10 =	vcmask $0x2724;
	v0 =	vsel vm9, $0x41100000, v0  }
0xb: {  	vm11 =	vcmask $0x2B28;
	v0 =	vsel vm10, $0x41200000, v0  }
0xc: {  	vm12 =	vcmask $0x2F2C;
	v0 =	vsel vm11, $0x41300000, v0  }
0xd: {  	s4 =	rddreg [dreg:$0x0];
	vm13 =	vcmask $0x3330;
	v0 =	vsel vm12, $0x41400000, v0  }
0xe: {  	s5 =	rddreg [dreg:$0x1];
	s1 =	simm.s32 $0x0;
	vm14 =	vcmask $0x3734;
	v0 =	vsel vm13, $0x41500000, v0  }
0xf: {  	[smem:$0x7FF] =	sst s1;
	vm15 =	vcmask $0x3B38;
	v0 =	vsel vm14, $0x41600000, v0  }
0x10: {  	s0 =	rddreg [dreg:$0x2];
	_ =	strace $0x80000047;
	v0 =	vsel vm15, $0x41700000, v0  }
0x11: {  	(erf) = vrcp.f32 v0  }
0x12: {  	s3 =	srdreg.scid  }
0x13: {  	s2 =	stileid.u32;
	s10 =	simm.s32 $0x1;
	s11 =	simm.s32 $0x4000  }
0x14: {  	s12 =	simm.s32 $0x2;
	s13 =	simm.s32 $0x0;
	s6 =	sand.u32 $0x1, s3  }
0x15: {  	s30 =	sshll.u32 s2, $0x2;
	s31 =	sshll.u32 s2, $0xC;
	s7 =	sshll.u32 s6, $0x1  }
.Ltmp0:
0x16: {  	s6 =	ssub.s32 $0x2, s6;
	s3 =	sor.u32 s7, s30;
	(pc) =	sbr.rel .LBB2_1-.Ltmp0, $4  }
0x17: {  	s7 =	sand.u32 $0xE000, s31;
	s9 =	sshrl.u32 s6, $0x1;
	s8 =	sshll.u32 s3, $0x4  }
0x18: {  	s4 =	sadd.s32 s4, s7;
	s9 =	ssub.s32 s6, s9;
	s8 =	sand.u32 $0x60, s8  }
0x19: {  	s5 =	sadd.s32 s5, s7;
	s7 =	smax.u32 s9, $0x1;
	s4 =	sadd.s32 s8, s4  }
0x1a: {  	v1 =	vimm.f32 $0.0e+00;
	v2 =	vlaneseq.u32;
	s9 =	simm.s32 $0x400;
	s8 =	simm.s32 $0x80;
	s6 =	sadd.s32 $0x10, s4;
	v0 =	vpop (erf)  }
.LBB2_28:
0x1b: {  	s13 =	sadd.s32 $0x1, s13  }
0x1c: {  	p0 =	sne.s32 s13, s7  }
.Ltmp1:
0x1d: {  	_ = 	snop;
	(pc) =	sbr.rel @!p0 .LBB2_29-.Ltmp1, $1  }
0x1e: {  	_ =	sdelay $0x3  }
.LBB2_1:
0x1f: {  	[tilespmem:s1], [sflag:$0x1] =	stream.strided.gather [hbm4b:s4+s8], $0x2000, s9, s8, $0x38;
	[tilespmem:$0x6000] =	vst v63  }
0x20: {  	s14 =	simm.s32 $0x4040  }
0x21: {  	[tilespmem:s14+$0xFFFFFFC0] =	vst v1  }
0x22: {  	[tilespmem:s14+$0x30] =	vst v1  }
0x23: {  	[tilespmem:s14+$0x20] =	vst v1  }
0x24: {  	[tilespmem:s14+$0x10] =	vst v1  }
0x25: {  	[tilespmem:s14+$0x0] =	vst v1  }
0x26: {  	[tilespmem:s14+$0xFFFFFFF0] =	vst v1  }
0x27: {  	s15 =	simm.s32 $0x0;
	p1 =	por $0x1, $0x1;
	[tilespmem:s14+$0xFFFFFFE0] =	vst v1  }
.LBB2_2:
0x28: {  	s15 =	sadd.s32 $0x8, s15;
	[tilespmem:s14+$0xFFFFFFD0] =	vst v1;
	s14 =	sadd.s32 $0x80, s14  }
0x29: {  	[tilespmem:s14+$0xFFFFFFC0] =	vst v1;
	p0 =	slt.u32 s15, $0x1F8  }
0x2a: {  	[tilespmem:s14+$0x30] =	vst v1  }
.Ltmp2:
0x2b: {  	[tilespmem:s14+$0x20] =	vst v1;
	(pc) =	sbr.rel @p0 .LBB2_2-.Ltmp2, $4  }
0x2c: {  	[tilespmem:s14+$0x10] =	vst v1  }
0x2d: {  	[tilespmem:s14+$0x0] =	vst v1  }
0x2e: {  	[tilespmem:s14+$0xFFFFFFF0] =	vst v1  }
0x2f: {  	[tilespmem:s14+$0xFFFFFFE0] =	vst v1  }
.Ltmp3:
0x30: {  	(pc) =	sbr.rel .LBB2_5-.Ltmp3, $2  }
0x31: {  	_ =	sdelay $0x2  }
0x32: {  	[tilespmem:s14+$0xFFFFFFD0] =	vst v1;
	s14 =	simm.s32 $0x0  }
.LBB2_19:
0x33: {  	v5 =	vor.u32 s15, v2  }
0x34: {  	vm0 =	vlt.s32 v5, v3;
	_ =	sdelay $0x5  }
0x35: {  	[tilespmem:v4+s11+$0x0] =	vst.idx.msk vm0, v1  }
.LBB2_4:
.Ltmp4:
0x36: {  	(pc) =	sbr.rel @!p0 .LBB2_28-.Ltmp4, $2  }
0x37: {  	_ =	sdelay $0x2  }
0x38: {  	s14 =	simm.s32 $0x1;
	p1 =	por $0x0, $0x0  }
.LBB2_5:
0x39: {  	_ =	swait.ge [sflag:s10], $0x2000  }
0x3a: {  	[sflag:s10] =	ssyncset.done $0x0  }
0x3b: {  	s16 =	simm.s32 $0x40;
	[sflag:s10] =	ssyncadd.s32 $0xFFFFE000  }
0x3c: {  	v3 =	vld [tilespmem:s16+$0x30]  }
0x3d: {  	v5 =	vld [tilespmem:s16+$0xFFFFFFD0]  }
0x3e: {  	v7 =	vld [tilespmem:s16+$0xFFFFFFE0]  }
0x3f: {  	v11 =	vld [tilespmem:s16+$0xFFFFFFF0]  }
0x40: {  	v9 =	vld [tilespmem:s16+$0x0]  }
0x41: {  	v4 =	vimm.f32 $-Inf;
	v12 =	vimm.f32 $-Inf;
	v8 =	vld [tilespmem:s16+$0x10]  }
0x42: {  	v10 =	vimm.f32 $-Inf;
	v14 =	vimm.f32 $-Inf;
	v13 =	vld [tilespmem:s16+$0x20];
	v3 =	vmax.f32 v4, v3  }
0x43: {  	p0 =	por p1, p1;
	s15 =	simm.s32 $0x0;
	v15 =	vld [tilespmem:s16+$0xFFFFFFC0];
	s16 =	simm.s32 $0xC0;
	v6 =	vmax.f32 v4, v5;
	v7 =	vmax.f32 v4, v7;
	v5 =	vimm.f32 $-Inf  }
.LBB2_6:
0x44: {  	v16 =	vld [tilespmem:s16+$0x30];
	s15 =	sadd.s32 $0x8, s15;
	v4 =	vmax.f32 v4, v11  }
0x45: {  	v17 =	vld [tilespmem:s16+$0xFFFFFFD0];
	p1 =	slt.u32 s15, $0x78;
	v5 =	vmax.f32 v5, v9  }
0x46: {  	v18 =	vld [tilespmem:s16+$0xFFFFFFE0];
	v12 =	vmax.f32 v12, v8  }
.Ltmp5:
0x47: {  	v11 =	vld [tilespmem:s16+$0xFFFFFFF0];
	v10 =	vmax.f32 v10, v13;
	(pc) =	sbr.rel @p1 .LBB2_6-.Ltmp5, $4  }
0x48: {  	v9 =	vld [tilespmem:s16+$0x0];
	v14 =	vmax.f32 v14, v15  }
0x49: {  	v8 =	vld [tilespmem:s16+$0x10];
	v3 =	vmax.f32 v3, v16  }
0x4a: {  	v6 =	vmax.f32 v6, v17;
	v13 =	vld [tilespmem:s16+$0x20]  }
0x4b: {  	v15 =	vld [tilespmem:s16+$0xFFFFFFC0];
	v7 =	vmax.f32 v7, v18;
	s16 =	sadd.s32 $0x80, s16  }
0x4c: {  	_ =	sdelay $0x3  }
0x4d: {  	v14 =	vmax.f32 v14, v15  }
0x4e: {  	v6 =	vmax.f32 v14, v6  }
0x4f: {  	v4 =	vmax.f32 v4, v11;
	v6 =	vmax.f32 v6, v7  }
0x50: {  	v5 =	vmax.f32 v5, v9;
	v4 =	vmax.f32 v6, v4  }
0x51: {  	v6 =	vmax.f32 v12, v8;
	v4 =	vmax.f32 v4, v5  }
0x52: {  	v5 =	vmax.f32 v10, v13;
	v4 =	vmax.f32 v4, v6  }
0x53: {  	v4 =	vmax.f32 v4, v5  }
0x54: {  	v3 =	vmax.f32 v4, v3  }
0x55: {  	(xrf1) =	vsort.dscd.msk.f32 $0xffff, v3, v3;
	_ =	sdelay $0xd  }
0x56: {  	v3, _, _ =	vpop (xrf1)  }
0x57: {  	(xrf2) =	vadd.scan.msk.f32 $0xffff, v3;
	_ =	sdelay $0x9  }
0x58: {  	v3, _, _ =	vpop (xrf2)  }
0x59: {  	v3 =	vadd.f32 $-1.000000000e+00, v3;
	_ =	sdelay $0x1  }
0x5a: {  	v3 =	vmul.f32 v3, v0;
	_ =	sdelay $0x1  }
0x5b: {  	(xrf0) =	vmax.scan.msk.f32 $0xffff, v3;
	_ =	sdelay $0x5  }
0x5c: {  	v3, _, _ =	vpop (xrf0)  }
0x5d: {  	(v2sf) =	vpush v3, $0xF;
	_ =	sdelay $0xe  }
0x5e: {  	s15 =	spop (v2sf)  }
0x5f: {  	s16 =	sand.u32 $0x7FFFFFFF, s15  }
0x60: {  	s16 =	smul.f32 $1.000000050e-03, s16  }
0x61: {  	s17 =	simm.s32 $0x40  }
0x62: {  	v3 =	vld [tilespmem:s17+$0xFFFFFFC0];
	s16 =	sadd.f32 $1.000000050e-03, s16  }
0x63: {  	v5 =	vld [tilespmem:s17+$0xFFFFFFD0]  }
0x64: {  	v6 =	vld [tilespmem:s17+$0xFFFFFFE0];
	s15 =	ssub.f32 s15, s16;
	_ =	sdelay $0x1  }
0x65: {  	v7 =	vld [tilespmem:s17+$0xFFFFFFF0];
	v4 =	vmov s15  }
0x66: {  	v8 =	vld [tilespmem:s17+$0x0];
	vm0 =	vgt.f32 v3, v4  }
0x67: {  	v3 =	vld [tilespmem:s17+$0x10];
	vm1 =	vgt.f32 v5, v4;
	v52 =	vmpcnt.ones.xlane vm0  }
0x68: {  	v5 =	vld [tilespmem:s17+$0x20];
	vm2 =	vgt.f32 v6, v4;
	v53 =	vmpcnt.ones.xlane vm1  }
0x69: {  	v6 =	vld [tilespmem:s17+$0x30];
	v54 =	vmpcnt.ones.xlane vm2;
	(v2sf) =	vpush v52, $0x0  }
0x6a: {  	s30 =	simm.s32 $0xC0;
	vm3 =	vgt.f32 v7, v4;
	(v2sf) =	vpush v53, $0x0  }
0x6b: {  	v56 =	vld [tilespmem:s30+$0xFFFFFFE0];
	vm7 =	vgt.f32 v8, v4;
	v7 =	vmpcnt.ones.xlane vm3;
	(v2sf) =	vpush v54, $0x0  }
0x6c: {  	v8 =	vmpcnt.ones.xlane vm7;
	vm8 =	vgt.f32 v3, v4  }
0x6d: {  	vm9 =	vgt.f32 v5, v4;
	v5 =	vld [tilespmem:s30+$0xFFFFFFC0];
	v55 =	vmpcnt.ones.xlane vm8;
	(v2sf) =	vpush v7, $0x0  }
0x6e: {  	vm11 =	vgt.f32 v6, v4;
	v6 =	vmpcnt.ones.xlane vm9;
	(v2sf) =	vpush v8, $0x0;
	v8 =	vld [tilespmem:s30+$0xFFFFFFD0]  }
0x6f: {  	v7 =	vmpcnt.ones.xlane vm11;
	(v2sf) =	vpush v55, $0x0  }
0x70: {  	vm13 =	vgt.f32 v56, v4;
	vm6 =	vmmov vm0;
	(v2sf) =	vpush v6, $0x0;
	v6 =	vld [tilespmem:s30+$0xFFFFFFF0]  }
0x71: {  	vm14 =	vmmov vm1;
	vm5 =	vmmov vm2;
	(v2sf) =	vpush v7, $0x0;
	v7 =	vld [tilespmem:s30+$0x0]  }
0x72: {  	vm4 =	vmmov vm3;
	vm3 =	vmmov vm7;
	vm10 =	vgt.f32 v5, v4  }
0x73: {  	v57 =	vld [tilespmem:s30+$0x10];
	vm0 =	vmmov vm11;
	v58 =	vmpcnt.ones.xlane vm10;
	vm11 =	vgt.f32 v8, v4  }
0x74: {  	v62 =	vmpcnt.ones.xlane vm13;
	v3 =	vlaneseq.u32;
	v8 =	vld [tilespmem:s30+$0x20];
	v60 =	vmpcnt.ones.xlane vm11  }
0x75: {  	v61 =	vld [tilespmem:s30+$0x30];
	vm1 =	vmmov vm9;
	(v2sf) =	vpush v58, $0x0;
	vm12 =	vgt.f32 v6, v4  }
0x76: {  	(v2sf) =	vpush v60, $0x0;
	v6 =	vmpcnt.ones.xlane vm12;
	vm9 =	vgt.f32 v7, v4  }
0x77: {  	vm2 =	vmmov vm8;
	(v2sf) =	vpush v62, $0x0;
	v63 =	vmpcnt.ones.xlane vm9  }
0x78: {  	s31 =	simm.s32 $0x0;
	v59 =	vadd.s32 $0x10, v3;
	vm8 =	vgt.f32 v57, v4;
	(v2sf) =	vpush v6, $0x0;
	s18 =	spop (v2sf)  }
0x79: {  	s16 =	simm.s32 $0x8;
	[tilespmem:s31+$0x2000] =	vst.msk vm6, v3;
	v7 =	vmpcnt.ones.xlane vm8;
	vm7 =	vgt.f32 v8, v4;
	(v2sf) =	vpush v63, $0x0;
	s18 =	sadd.s32 $0x0, s18;
	s19 =	spop (v2sf)  }
0x7a: {  	s17 =	simm.s32 $0x140;
	vm6 =	vgt.f32 v61, v4;
	v5 =	vadd.s32 $0x20, v3;
	v6 =	vmpcnt.ones.xlane vm7;
	[tilespmem:s18+$0x2000] =	vst.msk vm14, v59;
	s18 =	sadd.s32 s18, s19;
	s19 =	spop (v2sf)  }
.LBB2_8:
0x7b: {  	v9 =	vmpcnt.ones.xlane vm6;
	(v2sf) =	vpush v7, $0x0;
	[tilespmem:s18+$0x2000] =	vst.msk vm5, v5;
	v5 =	vadd.s32 $0x30, v3  }
0x7c: {  	v8 =	vld [tilespmem:s17+$0xFFFFFFC0];
	s16 =	sadd.s32 $0x8, s16;
	s18 =	sadd.s32 s18, s19;
	s19 =	spop (v2sf);
	vm15 =	vmmov vm10;
	vm14 =	vmmov vm11;
	vm5 =	vmmov vm13  }
0x7d: {  	v7 =	vld [tilespmem:s17+$0xFFFFFFD0];
	p1 =	slt.u32 s16, $0x1F8;
	(v2sf) =	vpush v6, $0x0;
	[tilespmem:s18+$0x2000] =	vst.msk vm4, v5;
	s18 =	sadd.s32 s18, s19;
	v5 =	vadd.s32 $0x40, v3;
	s19 =	spop (v2sf);
	vm4 =	vmmov vm12  }
0x7e: {  	v6 =	vld [tilespmem:s17+$0xFFFFFFE0];
	(v2sf) =	vpush v9, $0x0;
	[tilespmem:s18+$0x2000] =	vst.msk vm3, v5;
	s18 =	sadd.s32 s18, s19;
	v5 =	vadd.s32 $0x50, v3;
	s19 =	spop (v2sf);
	vm3 =	vmmov vm9  }
0x7f: {  	v9 =	vld [tilespmem:s17+$0xFFFFFFF0];
	[tilespmem:s18+$0x2000] =	vst.msk vm2, v5;
	s18 =	sadd.s32 s18, s19;
	v5 =	vadd.s32 $0x60, v3;
	s19 =	spop (v2sf);
	vm2 =	vmmov vm8  }
0x80: {  	v10 =	vld [tilespmem:s17+$0x0];
	[tilespmem:s18+$0x2000] =	vst.msk vm1, v5;
	s18 =	sadd.s32 s18, s19;
	v5 =	vadd.s32 $0x70, v3;
	s19 =	spop (v2sf);
	vm1 =	vmmov vm7  }
0x81: {  	v3 =	vadd.s32 $0x80, v3;
	vm10 =	vgt.f32 v8, v4;
	v8 =	vld [tilespmem:s17+$0x10];
	[tilespmem:s18+$0x2000] =	vst.msk vm0, v5;
	s18 =	sadd.s32 s18, s19;
	vm0 =	vmmov vm6  }
0x82: {  	v13 =	vadd.s32 $0x10, v3;
	v11 =	vmpcnt.ones.xlane vm10;
	vm11 =	vgt.f32 v7, v4;
	v12 =	vld [tilespmem:s17+$0x20];
	[tilespmem:s18+$0x2000] =	vst.msk vm15, v3  }
0x83: {  	v5 =	vadd.s32 $0x20, v3;
	v7 =	vmpcnt.ones.xlane vm11;
	vm13 =	vgt.f32 v6, v4;
	v14 =	vld [tilespmem:s17+$0x30]  }
.Ltmp6:
0x84: {  	v6 =	vmpcnt.ones.xlane vm13;
	vm12 =	vgt.f32 v9, v4;
	(v2sf) =	vpush v11, $0x0;
	(pc) =	sbr.rel @p1 .LBB2_8-.Ltmp6, $4  }
0x85: {  	v9 =	vmpcnt.ones.xlane vm12;
	vm9 =	vgt.f32 v10, v4;
	(v2sf) =	vpush v7, $0x0  }
0x86: {  	v10 =	vmpcnt.ones.xlane vm9;
	vm8 =	vgt.f32 v8, v4;
	(v2sf) =	vpush v6, $0x0;
	s19 =	spop (v2sf)  }
0x87: {  	v7 =	vmpcnt.ones.xlane vm8;
	vm7 =	vgt.f32 v12, v4;
	(v2sf) =	vpush v9, $0x0;
	s18 =	sadd.s32 s18, s19;
	s19 =	spop (v2sf)  }
0x88: {  	s17 =	sadd.s32 $0x80, s17;
	v6 =	vmpcnt.ones.xlane vm7;
	vm6 =	vgt.f32 v14, v4;
	(v2sf) =	vpush v10, $0x0;
	[tilespmem:s18+$0x2000] =	vst.msk vm14, v13;
	s18 =	sadd.s32 s18, s19;
	s19 =	spop (v2sf)  }
0x89: {  	v4 =	vmpcnt.ones.xlane vm6;
	(v2sf) =	vpush v7, $0x0  }
0x8a: {  	(v2sf) =	vpush v6, $0x0  }
0x8b: {  	(v2sf) =	vpush v4, $0x0;
	_ =	sdelay $0x2  }
0x8c: {  	s16 =	spop (v2sf);
	s17 =	sadd.s32 s18, s19  }
0x8d: {  	s25 =	spop (v2sf);
	s16 =	sadd.s32 s17, s16  }
0x8e: {  	s19 =	sadd.s32 s16, s25;
	s20 =	spop (v2sf)  }
0x8f: {  	s20 =	sadd.s32 s19, s20;
	s21 =	spop (v2sf)  }
0x90: {  	s21 =	sadd.s32 s20, s21;
	s22 =	spop (v2sf)  }
0x91: {  	s22 =	sadd.s32 s21, s22;
	s23 =	spop (v2sf)  }
0x92: {  	s23 =	sadd.s32 s22, s23;
	s24 =	spop (v2sf)  }
0x93: {  	[tilespmem:s18+$0x2000] =	vst.msk vm5, v5;
	v53 =	vadd.s32 $0x30, v3;
	s18 =	sadd.s32 s23, s24;
	s26 =	spop (v2sf)  }
0x94: {  	v54 =	vadd.s32 $0x40, v3;
	[tilespmem:s17+$0x2000] =	vst.msk vm4, v53;
	s17 =	sadd.s32 s18, s26;
	s28 =	spop (v2sf)  }
0x95: {  	v55 =	vadd.s32 $0x50, v3;
	[tilespmem:s16+$0x2000] =	vst.msk vm3, v54;
	s24 =	sadd.s32 s17, s28;
	s29 =	spop (v2sf);
	s28 =	sadd.f32 $-1.000000000e+00, s15  }
0x96: {  	v56 =	vadd.s32 $0x60, v3;
	[tilespmem:s19+$0x2000] =	vst.msk vm2, v55;
	s19 =	sadd.s32 s24, s29;
	s30 =	spop (v2sf)  }
0x97: {  	v57 =	vadd.s32 $0x70, v3;
	[tilespmem:s20+$0x2000] =	vst.msk vm1, v56;
	s20 =	sadd.s32 s19, s30;
	s31 =	spop (v2sf);
	p1 =	slt.f32 s15, s28  }
0x98: {  	v3 =	vadd.s32 $0x80, v3;
	vm4 =	vmmov vm10;
	[tilespmem:s21+$0x2000] =	vst.msk vm0, v57;
	p2 =	sgt.f32 s15, s28;
	s25 =	sadd.s32 s20, s31;
	s26 =	spop (v2sf)  }
0x99: {  	vm5 =	vmmov vm11;
	v58 =	vadd.s32 $0x10, v3;
	[tilespmem:s22+$0x2000] =	vst.msk vm4, v3;
	s16 =	sadd.s32 s25, s26  }
0x9a: {  	vm10 =	vmmov vm13;
	v59 =	vadd.s32 $0x20, v3;
	[tilespmem:s23+$0x2000] =	vst.msk vm5, v58;
	p1 =	por p2, p1;
	s29 =	sadd.s32 $0xF, s16  }
0x9b: {  	vm11 =	vmmov vm12;
	v60 =	vadd.s32 $0x30, v3;
	[tilespmem:s18+$0x2000] =	vst.msk vm10, v59;
	p1 =	por !p1, !p1;
	s30 =	sand.u32 $0xF, s29;
	s31 =	sshra.s32 s29, $0x1F  }
.Ltmp7:
0x9c: {  	vm12 =	vmmov vm9;
	v61 =	vadd.s32 $0x40, v3;
	[tilespmem:s17+$0x2000] =	vst.msk vm11, v60;
	p4 =	slt.s32 s29, $0x1;
	p3 =	sne.s32 s30, $0x0;
	(pc) =	sbr.rel @p1 .LBB2_13-.Ltmp7, $4  }
0x9d: {  	vm13 =	vmmov vm8;
	v62 =	vadd.s32 $0x50, v3;
	[tilespmem:s24+$0x2000] =	vst.msk vm12, v61;
	s17 =	sshrl.u32 s31, $0x1C;
	p3 =	por !p4, !p3  }
0x9e: {  	vm14 =	vmmov vm7;
	v63 =	vadd.s32 $0x60, v3;
	s18 =	simm.s32 $0x1;
	[tilespmem:s19+$0x2000] =	vst.msk vm13, v62;
	s17 =	sadd.s32 s17, s29;
	p2 =	por !p3, !p3  }
0x9f: {  	vm15 =	vmmov vm6;
	v3 =	vadd.s32 $0x70, v3;
	[tilespmem:s20+$0x2000] =	vst.msk vm14, v63;
	s17 =	sshra.s32 s17, $0x4;
	s18 =	simm.s32 @!p2 $0x0  }
0xa0: {  	[tilespmem:s25+$0x2000] =	vst.msk vm15, v3;
	s17 =	ssub.s32 s17, s18  }
.Ltmp8:
0xa1: {  	(pc) =	sbr.rel .LBB2_11-.Ltmp8, $2  }
0xa2: {  	_ =	sdelay $0x2  }
0xa3: {  	v3 =	vmov s16;
	s18 =	simm.s32 $0x0;
	p1 =	slt.s32 s17, $0x1  }
.LBB2_12:
0xa4: {  	v4 =	vimm.f32 $0.0e+00;
	v5 =	vimm.f32 $0.0e+00  }
.LBB2_26:
0xa5: {  	(xrf2) =	vadd.scan.msk.f32 $0xffff, v4  }
0xa6: {  	(xrf2) =	vadd.scan.msk.f32 $0xffff, v5;
	_ =	sdelay $0x8  }
0xa7: {  	v4, _, _ =	vpop (xrf2)  }
0xa8: {  	(v2sf) =	vpush v4, $0xF;
	v4, _, _ =	vpop (xrf2)  }
0xa9: {  	(v2sf) =	vpush v4, $0xF;
	_ =	sdelay $0xd  }
0xaa: {  	s19 =	spop (v2sf)  }
0xab: {  	s20 =	spop (v2sf)  }
0xac: {  	s20 =	smax.f32 s20, $1.000000000e+00  }
0xad: {  	v4 =	vmov s20  }
0xae: {  	(erf) = vrcp.f32 v4;
	_ =	sdelay $0x8  }
0xaf: {  	v4 =	vpop (erf)  }
0xb0: {  	(v2sf) =	vpush v4, $0x0;
	_ =	sdelay $0xd  }
0xb1: {  	s19 =	sadd.f32 $-1.000000000e+00, s19  }
0xb2: {  	s31 =	spop (v2sf)  }
0xb3: {  	s19 =	smul.f32 s31, s19;
	_ =	sdelay $0x1  }
0xb4: {  	p2 =	slt.f32 s19, s15;
	p3 =	sgt.f32 s19, s15  }
0xb5: {  	_ = 	snop  }
0xb6: {  	p2 =	por p3, p2  }
0xb7: {  	p2 =	por !p2, !p2  }
0xb8: {  	p3 =	slt.u32 @!p2 s18, $0x3F  }
0xb9: {  	p3 =	por p2, !p3  }
.Ltmp9:
0xba: {  	_ = 	snop;
	(pc) =	sbr.rel @p3 .LBB2_27-.Ltmp9, $2  }
0xbb: {  	_ =	sdelay $0x2  }
0xbc: {  	s15 =	smov.u32 s19;
	s18 =	sadd.s32 $0x1, s18  }
.LBB2_11:
.Ltmp10:
0xbd: {  	(pc) =	sbr.rel @p1 .LBB2_12-.Ltmp10, $1  }
0xbe: {  	_ =	sdelay $0x3  }
0xbf: {  	p3 =	sne.s32 s17, $0x1  }
.Ltmp11:
0xc0: {  	_ = 	snop;
	(pc) =	sbr.rel @!p3 .LBB2_21-.Ltmp11, $3  }
0xc1: {  	_ =	sdelay $0x1  }
0xc2: {  	s20 =	simm.s32 $0x2000  }
0xc3: {  	v5 =	vmov s15;
	v4 =	vimm.f32 $0.0e+00;
	s19 =	simm.s32 $0x0;
	s21 =	sadd.s32 $0xFFFFFFFF, s17;
	p2 =	por $0x0, $0x0;
	v6 =	vld [tilespmem:s20+$0x0]  }
0xc4: {  	_ = 	snop  }
0xc5: {  	v7 =	vor.u32 s19, v2  }
0xc6: {  	vm0 =	vlt.s32 v7, v3;
	_ =	sdelay $0x1  }
0xc7: {  	p3 =	sne.s32 s21, $0x1  }
.Ltmp12:
0xc8: {  	_ = 	snop;
	(pc) =	sbr.rel @!p3 .LBB2_23-.Ltmp12, $3  }
0xc9: {  	_ =	sdelay $0x1  }
0xca: {  	s20 =	simm.s32 $0x2010;
	v7 =	vld.idx.msk [tilespmem:v6+s1+$0x0], vm0  }
0xcb: {  	s21 =	sadd.s32 $0xFFFFFFFF, s21;
	s19 =	simm.s32 $0x10;
	p2 =	por $0x1, $0x1;
	v8 =	vimm.f32 $0.0e+00;
	v9 =	vimm.f32 $0.0e+00;
	vm0 =	vmmov vm0;
	v6 =	vld [tilespmem:s20+$0x0]  }
.LBB2_24:
0xcc: {  	p3 =	sne.s32 s21, $0x1;
	v10 =	vor.u32 s19, v2  }
0xcd: {  	vm1 =	vlt.s32 v10, v3;
	_ =	sdelay $0x2  }
.Ltmp13:
0xce: {  	vm2 =	vgt.f32 v7, v5;
	(pc) =	sbr.rel @p3 .LBB2_24-.Ltmp13, $4  }
0xcf: {  	vm2 =	vmand vm0, vm2;
	vm0 =	vmmov vm1  }
0xd0: {  	v10 =	vnsel vm2, $0x0, v7;
	v11 =	vsel vm2, $0x3F800000, v1  }
0xd1: {  	s20 =	sadd.s32 $0x10, s20;
	v8 =	vadd.f32 v10, v8;
	v9 =	vadd.f32 v11, v9;
	v7 =	vld.idx.msk [tilespmem:v6+s1+$0x0], vm1  }
0xd2: {  	s21 =	sadd.s32 $0xFFFFFFFF, s21;
	s19 =	sadd.s32 $0x10, s19;
	v6 =	vld [tilespmem:s20+$0x0]  }
.LBB2_25:
0xd3: {  	_ = 	snop  }
0xd4: {  	v10 =	vor.u32 s19, v2  }
0xd5: {  	vm1 =	vlt.s32 v10, v3;
	_ =	sdelay $0x5  }
0xd6: {  	v6 =	vld.idx.msk [tilespmem:v6+s1+$0x0], vm1;
	_ =	sdelay $0x1  }
0xd7: {  	vm2 =	vgt.f32 @p2 v7, v5  }
0xd8: {  	vm0 =	vmand @p2 vm0, vm2  }
0xd9: {  	vm14 =	vmmov vm1;
	v7 =	vnsel @p2 vm0, $0x0, v7;
	v10 =	vsel @p2 vm0, $0x3F800000, v1  }
.Ltmp14:
0xda: {  	v7 =	vadd.f32 @p2 v7, v8;
	v8 =	vadd.f32 @p2 v10, v9;
	vm15 =	vgt.f32 v6, v5;
	(pc) =	sbr.rel .LBB2_26-.Ltmp14, $4  }
0xdb: {  	vm0 =	vmand vm14, vm15  }
0xdc: {  	v5 =	vpsel p2, v7, v4;
	v7 =	vpsel p2, v8, v4;
	v4 =	vnsel vm0, $0x0, v6  }
0xdd: {  	v6 =	vsel vm0, $0x3F800000, v1;
	v4 =	vadd.f32 v4, v5  }
0xde: {  	v5 =	vadd.f32 v6, v7  }
.LBB2_21:
.Ltmp15:
0xdf: {  	(pc) =	sbr.rel .LBB2_25-.Ltmp15, $2  }
0xe0: {  	_ =	sdelay $0x2  }
0xe1: {  	v8 =	vimm.f32 $0.0e+00;
	v9 =	vimm.f32 $0.0e+00  }
.LBB2_23:
.Ltmp16:
0xe2: {  	(pc) =	sbr.rel .LBB2_25-.Ltmp16, $2  }
0xe3: {  	_ =	sdelay $0x2  }
0xe4: {  	v8 =	vimm.f32 $0.0e+00;
	v9 =	vimm.f32 $0.0e+00  }
.LBB2_27:
0xe5: {  	s19 =	smov.u32 @p2 s19  }
0xe6: {  	s15 =	smov.u32 s19  }
.LBB2_13:
0xe7: {  	p1 =	slt.s32 s17, $0x1  }
.Ltmp17:
0xe8: {  	_ = 	snop;
	(pc) =	sbr.rel @p1 .LBB2_16-.Ltmp17, $1  }
0xe9: {  	_ =	sdelay $0x3  }
0xea: {  	v3 =	vmov s16;
	v4 =	vmov s15;
	s15 =	simm.s32 $0x2000;
	s18 =	simm.s32 $0x0;
	s19 =	smov.u32 s17  }
.LBB2_15:
0xeb: {  	v5 =	vld [tilespmem:s15+$0x0]  }
0xec: {  	v6 =	vor.u32 s18, v2  }
0xed: {  	vm0 =	vlt.s32 v6, v3;
	_ =	sdelay $0x5  }
0xee: {  	v6 =	vld.idx.msk [tilespmem:v5+s1+$0x0], vm0;
	_ =	sdelay $0x4  }
0xef: {  	vm1 =	vgt.f32 v6, v4  }
0xf0: {  	vm0 =	vmand vm0, vm1  }
0xf1: {  	p2 =	sne.s32 s19, $0x1  }
.Ltmp18:
0xf2: {  	_ = 	snop;
	(pc) =	sbr.rel @p2 .LBB2_15-.Ltmp18, $3  }
0xf3: {  	_ = 	snop  }
0xf4: {  	v6 =	vsub.f32 v6, v4;
	_ =	sdelay $0x1  }
0xf5: {  	s15 =	sadd.s32 $0x10, s15;
	s18 =	sadd.s32 $0x10, s18;
	s19 =	sadd.s32 $0xFFFFFFFF, s19;
	[tilespmem:v5+s11+$0x0] =	vst.idx.msk vm0, v6  }
.LBB2_16:
0xf6: {  	s14 =	sor.u32 s3, s14  }
0xf7: {  	s14 =	sshll.u32 s14, $0x4  }
0xf8: {  	s14 =	sand.u32 $0x70, s14  }
0xf9: {  	s15 =	simm.s32 @p0 $0x400;
	s14 =	sadd.s32 s14, s5  }
0xfa: {  	[hbm4b:s14+s8] =	stream.strided.scatter [tilespmem:s11], [sflag:$0x2], $0x2000, s9, s8, $0x38;
	[tilespmem:$0x6000] =	vst v63  }
.Ltmp19:
0xfb: {  	s18 =	simm.s32 @p0 $0x0;
	s14 =	simm.s32 @p0 $0x80;
	(pc) =	sbr.rel @p1 .LBB2_4-.Ltmp19, $4  }
0xfc: {  	[tilespmem:s18], [sflag:$0x1] =	stream.strided.gather @p0 [hbm4b:s6+s14], $0x2000, s15, s14, $0x38;
	[tilespmem:$0x6000] =	vst v63  }
0xfd: {  	_ =	swait.ge [sflag:s12], $0x2000  }
0xfe: {  	[sflag:s12] =	ssyncset.done $0x0  }
0xff: {  	[sflag:s12] =	ssyncadd.s32 $0xFFFFE000  }
0x100: {  	p1 =	seq.s32 s17, $0x1  }
.Ltmp20:
0x101: {  	_ = 	snop;
	(pc) =	sbr.rel @p1 .LBB2_19-.Ltmp20, $3  }
0x102: {  	_ =	sdelay $0x1  }
0x103: {  	s14 =	simm.s32 $0x2000  }
0x104: {  	v3 =	vmov s16;
	s15 =	simm.s32 $0x0;
	s16 =	sadd.s32 $0xFFFFFFFF, s17;
	v4 =	vld [tilespmem:s14+$0x0]  }
.LBB2_18:
0x105: {  	p1 =	seq.s32 s16, $0x1;
	v5 =	vor.u32 s15, v2  }
0x106: {  	vm0 =	vlt.s32 v5, v3;
	_ =	sdelay $0x2  }
.Ltmp21:
0x107: {  	(pc) =	sbr.rel @!p1 .LBB2_18-.Ltmp21, $3  }
0x108: {  	_ =	sdelay $0x1  }
0x109: {  	s14 =	sadd.s32 $0x10, s14;
	[tilespmem:v4+s11+$0x0] =	vst.idx.msk vm0, v1  }
0x10a: {  	s16 =	sadd.s32 $0xFFFFFFFF, s16;
	s15 =	sadd.s32 $0x10, s15;
	v4 =	vld [tilespmem:s14+$0x0]  }
.Ltmp22:
0x10b: {  	_ = 	snop;
	(pc) =	sbr.rel .LBB2_19-.Ltmp22, $1  }
0x10c: {  	_ =	sdelay $0x3  }
.LBB2_29:
0x10d: {  	_ =	sfence.sel $0x180000  }
0x10e: {  	[bflag:$0x0] =	sbarrier.arrive $0xFFFF  }
0x10f: {  	p0 =	sne.s32 s2, $0x0;
	_ =	strace $0x90000047  }
0x110: {  	s0 =	sadd.s32 @!p0 $0x100000, s0;
	[bflag:$0x2] =	sbarrier.arrive $0xFFFF  }
0x111: {  	[sflag:s0] =	ssyncadd.tile.s32 @!p0 $0x1;
	_ =	shalt  }
.Lfunc_end2:
_tile_overlayer_lowered:
.L_overlay_start_2:
0x112: {  	(tag) =	ssettag $0x2  }
0x113: {  	s0 =	rddreg [dreg:$0x0];
	s2 =	stileid.u32  }
0x114: {  	s1 =	rddreg [dreg:$0x1];
	p0 =	sne.s32 s2, $0x0  }
0x115: {  	s3 =	rddreg [dreg:$0x2];
	[bflag:$0x3] =	sbarrier.arrive $0xFFFF;
	s2 =	simm.s32 @!p0 $0x1C03  }
0x116: {  	[timem:s3], [sflag:s2] =	dma.local @!p0 [hbm:s0], s1  }
0x117: {  	s0 =	simm.s32 @!p0 $0x3  }
0x118: {  	_ =	swait.ge @!p0 [sflag:s0], s1  }
0x119: {  	s1 =	ssub.s32 @!p0 $0x0, s1;
	[sflag:s0] =	ssyncset.done @!p0 $0x0  }
0x11a: {  	[sflag:s0] =	ssyncadd.s32 @!p0 s1  }
0x11b: {  	[bflag:$0x3] =	sbarrier.arrive $0xFFFF  }
0x11c: {  	_ =	shalt  }

</sc_bundles>
